<compile_context>
chip_gen: v7x
topology: tpu7x:2x2x1
jax: 0.10.2.dev20260603
libtpu: 0.0.44.dev20260713+nightly
codegen_flags: <defaults>
</compile_context>

<pallas_src>
import functools

import jax
import jax.numpy as jnp
from jax import lax
from jax.experimental import pallas as pl
from jax.experimental.pallas import tpu as pltpu
from jax.experimental.pallas import tpu_sc as plsc

L = 16
NS = 16
N_IDS = 4 * 8192
CHUNK = N_IDS // NS
D = 768
SEG = D // 3
NP = NS + 6

_mesh = plsc.VectorSubcoreMesh(core_axis_name="c", subcore_axis_name="s",
                               num_cores=1)


def _lane_sum(vec, scratch_ref):
    lanes = jnp.arange(L, dtype=jnp.int32)
    for stride in (1, 2, 4, 8):
        scratch_ref[...] = vec
        vec = vec + plsc.load_gather(scratch_ref, [lanes ^ stride])
    return vec


def _sc_embed_sum_body(ids_hbm, table_hbm, out_hbm,
                       ids_v, part_v, seg_v, all_v, tab_v, fv_v, shared,
                       sem_i, sem_t):
    sid = lax.axis_index("s")

    cp_ids = pltpu.async_copy(ids_hbm.at[pl.ds(sid * CHUNK, CHUNK)],
                              ids_v, sem_i)

    for k in range(6):
        @pl.when(sid == 10 + k)
        def _table_seg(k=k):
            pltpu.async_copy(table_hbm.at[pl.ds(k * SEG, SEG)], tab_v,
                             sem_t).wait()
            r_a = tab_v[pl.ds(0, L)]
            r_b = tab_v[pl.ds(L, L)]
            for j in range(2, SEG // L, 2):
                r_a = r_a + tab_v[pl.ds(j * L, L)]
                r_b = r_b + tab_v[pl.ds((j + 1) * L, L)]
            rs = _lane_sum(r_a + r_b, fv_v)
            seg_v[...] = plsc.bitcast(rs, jnp.int32)
            pltpu.async_copy(seg_v, shared.at[pl.ds((NS + k) * L, L)],
                             sem_t)

    cp_ids.wait()
    a0 = ids_v[pl.ds(0, L)]
    a1 = ids_v[pl.ds(L, L)]
    for i in range(2, CHUNK // L, 2):
        a0 = a0 + ids_v[pl.ds(i * L, L)]
        a1 = a1 + ids_v[pl.ds((i + 1) * L, L)]
    part_v[...] = _lane_sum(a0 + a1, part_v)
    pltpu.sync_copy(part_v, shared.at[pl.ds(sid * L, L)])

    for k in range(6):
        @pl.when(sid == 10 + k)
        def _drain_seg(k=k):
            pltpu.make_async_copy(
                seg_v, shared.at[pl.ds((NS + k) * L, L)], sem_t).wait()

    plsc.subcore_barrier()

    @pl.when(sid == 0)
    def _finalize():
        pltpu.sync_copy(shared, all_v)
        t0 = all_v[pl.ds(0, L)]
        t1 = all_v[pl.ds(L, L)]
        for i in range(2, NS, 2):
            t0 = t0 + all_v[pl.ds(i * L, L)]
            t1 = t1 + all_v[pl.ds((i + 1) * L, L)]
        n1 = (t0 + t1).astype(jnp.float32)

        def seg(k):
            return plsc.bitcast(all_v[pl.ds((NS + k) * L, L)], jnp.float32)

        r0s = seg(0) + seg(1) + seg(2)
        r1s = seg(3) + seg(4) + seg(5)
        res = (jnp.float32(N_IDS) - n1) * r0s + n1 * r1s
        fv_v[...] = res
        pltpu.sync_copy(fv_v, out_hbm)


_sc_embed_sum = functools.partial(
    pl.kernel,
    mesh=_mesh,
    out_type=jax.ShapeDtypeStruct((L,), jnp.float32),
    compiler_params=pltpu.CompilerParams(needs_layout_passes=False),
    scratch_types=[
        pltpu.VMEM((CHUNK,), jnp.int32),
        pltpu.VMEM((L,), jnp.int32),
        pltpu.VMEM((L,), jnp.int32),
        pltpu.VMEM((NP * L,), jnp.int32),
        pltpu.VMEM((SEG,), jnp.float32),
        pltpu.VMEM((L,), jnp.float32),
        pltpu.VMEM_SHARED((NP * L,), jnp.int32),
        pltpu.SemaphoreType.DMA,
        pltpu.SemaphoreType.DMA,
    ],
)(_sc_embed_sum_body)


def kernel(token_type_ids, table):
    ids = token_type_ids.reshape(-1).astype(jnp.int32)
    res = _sc_embed_sum(ids, table.reshape(-1))
    return res[0]

# --- scband reference (transcript-rebuilt; emitter-appended) ---
"""Pipeline reference for scband-my-model-61933428412407 (READ-ONLY COPY).

The authoritative reference and input builder live on the scoring server;
editing this copy changes nothing except your own understanding.
"""

import jax, jax.numpy as jnp
import numpy as np

def setup_inputs(seed: int = 0) -> dict:
    key = jax.random.key(seed)
    k_ids, k_tab = jax.random.split(key)
    token_type_ids = jax.random.randint(k_ids, (4, 8192), 0, 2, dtype=jnp.int64)
    table = jax.random.normal(k_tab, (2, 768), dtype=jnp.float32)
    return {"token_type_ids": token_type_ids, "table": table}

def reference(token_type_ids, table):
    # nn.Embedding lookup: gather rows of table by token_type_ids
    emb = jnp.take(table, token_type_ids, axis=0)  # [4, 8192, 768]
    return emb.sum()

if __name__ == "__main__":
    import jax
    _d = setup_inputs()
    print(jax.jit(kernel)(*tuple(_d.values())))

</pallas_src>

<mosaic_0001>
#map = affine_map<(d0, d1) -> (0)>
module attributes {stable_mosaic.version = 14 : i64} {
  func.func @_sc_embed_sum_body(%arg0: i32, %arg1: i32, %arg2: memref<32768xi32, #tpu.memory_space<hbm>>, %arg3: memref<1536xf32, #tpu.memory_space<hbm>>, %arg4: memref<16xf32, #tpu.memory_space<hbm>>, %arg5: memref<2048xi32, #tpu.memory_space<vmem>>, %arg6: memref<16xi32, #tpu.memory_space<vmem>>, %arg7: memref<16xi32, #tpu.memory_space<vmem>>, %arg8: memref<352xi32, #tpu.memory_space<vmem>>, %arg9: memref<256xf32, #tpu.memory_space<vmem>>, %arg10: memref<16xf32, #tpu.memory_space<vmem>>, %arg11: memref<352xi32, #tpu.memory_space<vmem_shared>>, %arg12: memref<!tpu.dma_semaphore, #tpu.memory_space<semaphore_mem>>, %arg13: memref<!tpu.dma_semaphore, #tpu.memory_space<semaphore_mem>>) attributes {dimension_semantics = [#tpu.dimension_semantics<core_parallel>, #tpu.dimension_semantics<subcore_parallel>], iteration_bounds = array<i64: 1, 16>, scalar_prefetch = 0 : i64, scratch_operands = 9 : i64, tpu.core_type = #tpu.core_type<sc_vector_subcore>, window_params = [{transform_indices = #map}, {transform_indices = #map}, {transform_indices = #map}]} {
    %mul3A = arith.constant 2048 : i32
    %mul3A_0 = arith.muli %arg1, %mul3A : i32
    %dma_start3A = tpu.memref_slice %arg2[%mul3A_0] : memref<32768xi32, #tpu.memory_space<hbm>> -> memref<2048xi32, #tpu.memory_space<hbm>>
    %dma_start3A_1 = tpu.memref_slice %arg2[%mul3A_0] : memref<32768xi32, #tpu.memory_space<hbm>> -> memref<2048xi32, #tpu.memory_space<hbm>>
    tpu.enqueue_dma source(%dma_start3A_1 : memref<2048xi32, #tpu.memory_space<hbm>>) target(%arg5 : memref<2048xi32, #tpu.memory_space<vmem>>) target_semaphore(%arg12 : memref<!tpu.dma_semaphore, #tpu.memory_space<semaphore_mem>>)
    %eq3A = arith.constant 10 : i32
    %eq3A_2 = arith.cmpi eq, %arg1, %eq3A : i32
    %convert_element_type3A = arith.extui %eq3A_2 : i1 to i32
    %cond3A = arith.constant 0 : i32
    %cond3A_3 = arith.cmpi ne, %convert_element_type3A, %cond3A : i32
    scf.if %cond3A_3 {
      %dma_start3A_475 = arith.constant 0 : i32
      %dma_start3A_476 = tpu.memref_slice %arg3[%dma_start3A_475] : memref<1536xf32, #tpu.memory_space<hbm>> -> memref<256xf32, #tpu.memory_space<hbm>>
      %dma_start3A_477 = arith.constant 0 : i32
      %dma_start3A_478 = tpu.memref_slice %arg3[%dma_start3A_477] : memref<1536xf32, #tpu.memory_space<hbm>> -> memref<256xf32, #tpu.memory_space<hbm>>
      tpu.enqueue_dma source(%dma_start3A_478 : memref<256xf32, #tpu.memory_space<hbm>>) target(%arg9 : memref<256xf32, #tpu.memory_space<vmem>>) target_semaphore(%arg13 : memref<!tpu.dma_semaphore, #tpu.memory_space<semaphore_mem>>)
      %dma_wait3A_479 = arith.constant 0 : i32
      %dma_wait3A_480 = tpu.memref_slice %arg3[%dma_wait3A_479] : memref<1536xf32, #tpu.memory_space<hbm>> -> memref<256xf32, #tpu.memory_space<hbm>>
      %dma_wait3A_481 = arith.constant 0 : i32
      %dma_wait3A_482 = tpu.memref_slice %arg3[%dma_wait3A_481] : memref<1536xf32, #tpu.memory_space<hbm>> -> memref<256xf32, #tpu.memory_space<hbm>>
      tpu.wait_dma2 semaphore(%arg13 : memref<!tpu.dma_semaphore, #tpu.memory_space<semaphore_mem>>) src(%dma_wait3A_482 : memref<256xf32, #tpu.memory_space<hbm>>) dst(%arg9 : memref<256xf32, #tpu.memory_space<vmem>>)
      %get3A_483 = arith.constant 0 : index
      %get3A_484 = tpu.vector_load %arg9[%get3A_483] {strides = array<i32>} : memref<256xf32, #tpu.memory_space<vmem>>, vector<16xf32>,
      %get3A_485 = arith.constant 16 : index
      %get3A_486 = tpu.vector_load %arg9[%get3A_485] {strides = array<i32>} : memref<256xf32, #tpu.memory_space<vmem>>, vector<16xf32>,
      %get3A_487 = arith.constant 32 : index
      %get3A_488 = tpu.vector_load %arg9[%get3A_487] {strides = array<i32>} : memref<256xf32, #tpu.memory_space<vmem>>, vector<16xf32>,
      %add3A_489 = arith.addf %get3A_484, %get3A_488 : vector<16xf32>
      %get3A_490 = arith.constant 48 : index
      %get3A_491 = tpu.vector_load %arg9[%get3A_490] {strides = array<i32>} : memref<256xf32, #tpu.memory_space<vmem>>, vector<16xf32>,
      %add3A_492 = arith.addf %get3A_486, %get3A_491 : vector<16xf32>
      %get3A_493 = arith.constant 64 : index
      %get3A_494 = tpu.vector_load %arg9[%get3A_493] {strides = array<i32>} : memref<256xf32, #tpu.memory_space<vmem>>, vector<16xf32>,
      %add3A_495 = arith.addf %add3A_489, %get3A_494 : vector<16xf32>
      %get3A_496 = arith.constant 80 : index
      %get3A_497 = tpu.vector_load %arg9[%get3A_496] {strides = array<i32>} : memref<256xf32, #tpu.memory_space<vmem>>, vector<16xf32>,
      %add3A_498 = arith.addf %add3A_492, %get3A_497 : vector<16xf32>
      %get3A_499 = arith.constant 96 : index
      %get3A_500 = tpu.vector_load %arg9[%get3A_499] {strides = array<i32>} : memref<256xf32, #tpu.memory_space<vmem>>, vector<16xf32>,
      %add3A_501 = arith.addf %add3A_495, %get3A_500 : vector<16xf32>
      %get3A_502 = arith.constant 112 : index
      %get3A_503 = tpu.vector_load %arg9[%get3A_502] {strides = array<i32>} : memref<256xf32, #tpu.memory_space<vmem>>, vector<16xf32>,
      %add3A_504 = arith.addf %add3A_498, %get3A_503 : vector<16xf32>
      %get3A_505 = arith.constant 128 : index
      %get3A_506 = tpu.vector_load %arg9[%get3A_505] {strides = array<i32>} : memref<256xf32, #tpu.memory_space<vmem>>, vector<16xf32>,
      %add3A_507 = arith.addf %add3A_501, %get3A_506 : vector<16xf32>
      %get3A_508 = arith.constant 144 : index
      %get3A_509 = tpu.vector_load %arg9[%get3A_508] {strides = array<i32>} : memref<256xf32, #tpu.memory_space<vmem>>, vector<16xf32>,
      %add3A_510 = arith.addf %add3A_504, %get3A_509 : vector<16xf32>
      %get3A_511 = arith.constant 160 : index
      %get3A_512 = tpu.vector_load %arg9[%get3A_511] {strides = array<i32>} : memref<256xf32, #tpu.memory_space<vmem>>, vector<16xf32>,
      %add3A_513 = arith.addf %add3A_507, %get3A_512 : vector<16xf32>
      %get3A_514 = arith.constant 176 : index
      %get3A_515 = tpu.vector_load %arg9[%get3A_514] {strides = array<i32>} : memref<256xf32, #tpu.memory_space<vmem>>, vector<16xf32>,
      %add3A_516 = arith.addf %add3A_510, %get3A_515 : vector<16xf32>
      %get3A_517 = arith.constant 192 : index
      %get3A_518 = tpu.vector_load %arg9[%get3A_517] {strides = array<i32>} : memref<256xf32, #tpu.memory_space<vmem>>, vector<16xf32>,
      %add3A_519 = arith.addf %add3A_513, %get3A_518 : vector<16xf32>
      %get3A_520 = arith.constant 208 : index
      %get3A_521 = tpu.vector_load %arg9[%get3A_520] {strides = array<i32>} : memref<256xf32, #tpu.memory_space<vmem>>, vector<16xf32>,
      %add3A_522 = arith.addf %add3A_516, %get3A_521 : vector<16xf32>
      %get3A_523 = arith.constant 224 : index
      %get3A_524 = tpu.vector_load %arg9[%get3A_523] {strides = array<i32>} : memref<256xf32, #tpu.memory_space<vmem>>, vector<16xf32>,
      %add3A_525 = arith.addf %add3A_519, %get3A_524 : vector<16xf32>
      %get3A_526 = arith.constant 240 : index
      %get3A_527 = tpu.vector_load %arg9[%get3A_526] {strides = array<i32>} : memref<256xf32, #tpu.memory_space<vmem>>, vector<16xf32>,
      %add3A_528 = arith.addf %add3A_522, %get3A_527 : vector<16xf32>
      %add3A_529 = arith.addf %add3A_525, %add3A_528 : vector<16xf32>
      %iota3A_530 = tpu.iota {dimensions = array<i32: 0>} : vector<16xi32>
      %swap3A_531 = arith.constant 0 : index
      %swap3A_532 = tpu.vector_load %arg10[%swap3A_531] {strides = array<i32>} : memref<16xf32, #tpu.memory_space<vmem>>, vector<16xf32>,
      tpu.vector_store %arg10[%swap3A_531], %add3A_529 {strides = array<i32>} : memref<16xf32, #tpu.memory_space<vmem>>, vector<16xf32>,
      %xor3A_533 = arith.constant 1 : i32
      %xor3A_534 = vector.broadcast %xor3A_533 : i32 to vector<16xi32>
      %xor3A_535 = arith.xori %iota3A_530, %xor3A_534 : vector<16xi32>
      %gather3A_536 = tpu.vector_load_idx %arg10[%xor3A_535] : memref<16xf32, #tpu.memory_space<vmem>>[vector<16xi32>], vector<16xf32>,
      %add3A_537 = arith.addf %add3A_529, %gather3A_536 : vector<16xf32>
      %swap3A_538 = arith.constant 0 : index
      %swap3A_539 = tpu.vector_load %arg10[%swap3A_538] {strides = array<i32>} : memref<16xf32, #tpu.memory_space<vmem>>, vector<16xf32>,
      tpu.vector_store %arg10[%swap3A_538], %add3A_537 {strides = array<i32>} : memref<16xf32, #tpu.memory_space<vmem>>, vector<16xf32>,
      %xor3A_540 = arith.constant 2 : i32
      %xor3A_541 = vector.broadcast %xor3A_540 : i32 to vector<16xi32>
      %xor3A_542 = arith.xori %iota3A_530, %xor3A_541 : vector<16xi32>
      %gather3A_543 = tpu.vector_load_idx %arg10[%xor3A_542] : memref<16xf32, #tpu.memory_space<vmem>>[vector<16xi32>], vector<16xf32>,
      %add3A_544 = arith.addf %add3A_537, %gather3A_543 : vector<16xf32>
      %swap3A_545 = arith.constant 0 : index
      %swap3A_546 = tpu.vector_load %arg10[%swap3A_545] {strides = array<i32>} : memref<16xf32, #tpu.memory_space<vmem>>, vector<16xf32>,
      tpu.vector_store %arg10[%swap3A_545], %add3A_544 {strides = array<i32>} : memref<16xf32, #tpu.memory_space<vmem>>, vector<16xf32>,
      %xor3A_547 = arith.constant 4 : i32
      %xor3A_548 = vector.broadcast %xor3A_547 : i32 to vector<16xi32>
      %xor3A_549 = arith.xori %iota3A_530, %xor3A_548 : vector<16xi32>
      %gather3A_550 = tpu.vector_load_idx %arg10[%xor3A_549] : memref<16xf32, #tpu.memory_space<vmem>>[vector<16xi32>], vector<16xf32>,
      %add3A_551 = arith.addf %add3A_544, %gather3A_550 : vector<16xf32>
      %swap3A_552 = arith.constant 0 : index
      %swap3A_553 = tpu.vector_load %arg10[%swap3A_552] {strides = array<i32>} : memref<16xf32, #tpu.memory_space<vmem>>, vector<16xf32>,
      tpu.vector_store %arg10[%swap3A_552], %add3A_551 {strides = array<i32>} : memref<16xf32, #tpu.memory_space<vmem>>, vector<16xf32>,
      %xor3A_554 = arith.constant 8 : i32
      %xor3A_555 = vector.broadcast %xor3A_554 : i32 to vector<16xi32>
      %xor3A_556 = arith.xori %iota3A_530, %xor3A_555 : vector<16xi32>
      %gather3A_557 = tpu.vector_load_idx %arg10[%xor3A_556] : memref<16xf32, #tpu.memory_space<vmem>>[vector<16xi32>], vector<16xf32>,
      %add3A_558 = arith.addf %add3A_551, %gather3A_557 : vector<16xf32>
      %bitcast3A = vector.bitcast %add3A_558 : vector<16xf32> to vector<16xi32>
      %swap3A_559 = arith.constant 0 : index
      %swap3A_560 = tpu.vector_load %arg7[%swap3A_559] {strides = array<i32>} : memref<16xi32, #tpu.memory_space<vmem>>, vector<16xi32>,
      tpu.vector_store %arg7[%swap3A_559], %bitcast3A {strides = array<i32>} : memref<16xi32, #tpu.memory_space<vmem>>, vector<16xi32>,
      %dma_start3A_561 = arith.constant 256 : i32
      %dma_start3A_562 = tpu.memref_slice %arg11[%dma_start3A_561] : memref<352xi32, #tpu.memory_space<vmem_shared>> -> memref<16xi32, #tpu.memory_space<vmem_shared>>
      %dma_start3A_563 = arith.constant 256 : i32
      %dma_start3A_564 = tpu.memref_slice %arg11[%dma_start3A_563] : memref<352xi32, #tpu.memory_space<vmem_shared>> -> memref<16xi32, #tpu.memory_space<vmem_shared>>
      tpu.enqueue_dma source(%arg7 : memref<16xi32, #tpu.memory_space<vmem>>) target(%dma_start3A_564 : memref<16xi32, #tpu.memory_space<vmem_shared>>) target_semaphore(%arg13 : memref<!tpu.dma_semaphore, #tpu.memory_space<semaphore_mem>>)
    } else {
    }
    %eq3A_4 = arith.constant 11 : i32
    %eq3A_5 = arith.cmpi eq, %arg1, %eq3A_4 : i32
    %convert_element_type3A_6 = arith.extui %eq3A_5 : i1 to i32
    %cond3A_7 = arith.constant 0 : i32
    %cond3A_8 = arith.cmpi ne, %convert_element_type3A_6, %cond3A_7 : i32
    scf.if %cond3A_8 {
      %dma_start3A_475 = arith.constant 256 : i32
      %dma_start3A_476 = tpu.memref_slice %arg3[%dma_start3A_475] : memref<1536xf32, #tpu.memory_space<hbm>> -> memref<256xf32, #tpu.memory_space<hbm>>
      %dma_start3A_477 = arith.constant 256 : i32
      %dma_start3A_478 = tpu.memref_slice %arg3[%dma_start3A_477] : memref<1536xf32, #tpu.memory_space<hbm>> -> memref<256xf32, #tpu.memory_space<hbm>>
      tpu.enqueue_dma source(%dma_start3A_478 : memref<256xf32, #tpu.memory_space<hbm>>) target(%arg9 : memref<256xf32, #tpu.memory_space<vmem>>) target_semaphore(%arg13 : memref<!tpu.dma_semaphore, #tpu.memory_space<semaphore_mem>>)
      %dma_wait3A_479 = arith.constant 256 : i32
      %dma_wait3A_480 = tpu.memref_slice %arg3[%dma_wait3A_479] : memref<1536xf32, #tpu.memory_space<hbm>> -> memref<256xf32, #tpu.memory_space<hbm>>
      %dma_wait3A_481 = arith.constant 256 : i32
      %dma_wait3A_482 = tpu.memref_slice %arg3[%dma_wait3A_481] : memref<1536xf32, #tpu.memory_space<hbm>> -> memref<256xf32, #tpu.memory_space<hbm>>
      tpu.wait_dma2 semaphore(%arg13 : memref<!tpu.dma_semaphore, #tpu.memory_space<semaphore_mem>>) src(%dma_wait3A_482 : memref<256xf32, #tpu.memory_space<hbm>>) dst(%arg9 : memref<256xf32, #tpu.memory_space<vmem>>)
      %get3A_483 = arith.constant 0 : index
      %get3A_484 = tpu.vector_load %arg9[%get3A_483] {strides = array<i32>} : memref<256xf32, #tpu.memory_space<vmem>>, vector<16xf32>,
      %get3A_485 = arith.constant 16 : index
      %get3A_486 = tpu.vector_load %arg9[%get3A_485] {strides = array<i32>} : memref<256xf32, #tpu.memory_space<vmem>>, vector<16xf32>,
      %get3A_487 = arith.constant 32 : index
      %get3A_488 = tpu.vector_load %arg9[%get3A_487] {strides = array<i32>} : memref<256xf32, #tpu.memory_space<vmem>>, vector<16xf32>,
      %add3A_489 = arith.addf %get3A_484, %get3A_488 : vector<16xf32>
      %get3A_490 = arith.constant 48 : index
      %get3A_491 = tpu.vector_load %arg9[%get3A_490] {strides = array<i32>} : memref<256xf32, #tpu.memory_space<vmem>>, vector<16xf32>,
      %add3A_492 = arith.addf %get3A_486, %get3A_491 : vector<16xf32>
      %get3A_493 = arith.constant 64 : index
      %get3A_494 = tpu.vector_load %arg9[%get3A_493] {strides = array<i32>} : memref<256xf32, #tpu.memory_space<vmem>>, vector<16xf32>,
      %add3A_495 = arith.addf %add3A_489, %get3A_494 : vector<16xf32>
      %get3A_496 = arith.constant 80 : index
      %get3A_497 = tpu.vector_load %arg9[%get3A_496] {strides = array<i32>} : memref<256xf32, #tpu.memory_space<vmem>>, vector<16xf32>,
      %add3A_498 = arith.addf %add3A_492, %get3A_497 : vector<16xf32>
      %get3A_499 = arith.constant 96 : index
      %get3A_500 = tpu.vector_load %arg9[%get3A_499] {strides = array<i32>} : memref<256xf32, #tpu.memory_space<vmem>>, vector<16xf32>,
      %add3A_501 = arith.addf %add3A_495, %get3A_500 : vector<16xf32>
      %get3A_502 = arith.constant 112 : index
      %get3A_503 = tpu.vector_load %arg9[%get3A_502] {strides = array<i32>} : memref<256xf32, #tpu.memory_space<vmem>>, vector<16xf32>,
      %add3A_504 = arith.addf %add3A_498, %get3A_503 : vector<16xf32>
      %get3A_505 = arith.constant 128 : index
      %get3A_506 = tpu.vector_load %arg9[%get3A_505] {strides = array<i32>} : memref<256xf32, #tpu.memory_space<vmem>>, vector<16xf32>,
      %add3A_507 = arith.addf %add3A_501, %get3A_506 : vector<16xf32>
      %get3A_508 = arith.constant 144 : index
      %get3A_509 = tpu.vector_load %arg9[%get3A_508] {strides = array<i32>} : memref<256xf32, #tpu.memory_space<vmem>>, vector<16xf32>,
      %add3A_510 = arith.addf %add3A_504, %get3A_509 : vector<16xf32>
      %get3A_511 = arith.constant 160 : index
      %get3A_512 = tpu.vector_load %arg9[%get3A_511] {strides = array<i32>} : memref<256xf32, #tpu.memory_space<vmem>>, vector<16xf32>,
      %add3A_513 = arith.addf %add3A_507, %get3A_512 : vector<16xf32>
      %get3A_514 = arith.constant 176 : index
      %get3A_515 = tpu.vector_load %arg9[%get3A_514] {strides = array<i32>} : memref<256xf32, #tpu.memory_space<vmem>>, vector<16xf32>,
      %add3A_516 = arith.addf %add3A_510, %get3A_515 : vector<16xf32>
      %get3A_517 = arith.constant 192 : index
      %get3A_518 = tpu.vector_load %arg9[%get3A_517] {strides = array<i32>} : memref<256xf32, #tpu.memory_space<vmem>>, vector<16xf32>,
      %add3A_519 = arith.addf %add3A_513, %get3A_518 : vector<16xf32>
      %get3A_520 = arith.constant 208 : index
      %get3A_521 = tpu.vector_load %arg9[%get3A_520] {strides = array<i32>} : memref<256xf32, #tpu.memory_space<vmem>>, vector<16xf32>,
      %add3A_522 = arith.addf %add3A_516, %get3A_521 : vector<16xf32>
      %get3A_523 = arith.constant 224 : index
      %get3A_524 = tpu.vector_load %arg9[%get3A_523] {strides = array<i32>} : memref<256xf32, #tpu.memory_space<vmem>>, vector<16xf32>,
      %add3A_525 = arith.addf %add3A_519, %get3A_524 : vector<16xf32>
      %get3A_526 = arith.constant 240 : index
      %get3A_527 = tpu.vector_load %arg9[%get3A_526] {strides = array<i32>} : memref<256xf32, #tpu.memory_space<vmem>>, vector<16xf32>,
      %add3A_528 = arith.addf %add3A_522, %get3A_527 : vector<16xf32>
      %add3A_529 = arith.addf %add3A_525, %add3A_528 : vector<16xf32>
      %iota3A_530 = tpu.iota {dimensions = array<i32: 0>} : vector<16xi32>
      %swap3A_531 = arith.constant 0 : index
      %swap3A_532 = tpu.vector_load %arg10[%swap3A_531] {strides = array<i32>} : memref<16xf32, #tpu.memory_space<vmem>>, vector<16xf32>,
      tpu.vector_store %arg10[%swap3A_531], %add3A_529 {strides = array<i32>} : memref<16xf32, #tpu.memory_space<vmem>>, vector<16xf32>,
      %xor3A_533 = arith.constant 1 : i32
      %xor3A_534 = vector.broadcast %xor3A_533 : i32 to vector<16xi32>
      %xor3A_535 = arith.xori %iota3A_530, %xor3A_534 : vector<16xi32>
      %gather3A_536 = tpu.vector_load_idx %arg10[%xor3A_535] : memref<16xf32, #tpu.memory_space<vmem>>[vector<16xi32>], vector<16xf32>,
      %add3A_537 = arith.addf %add3A_529, %gather3A_536 : vector<16xf32>
      %swap3A_538 = arith.constant 0 : index
      %swap3A_539 = tpu.vector_load %arg10[%swap3A_538] {strides = array<i32>} : memref<16xf32, #tpu.memory_space<vmem>>, vector<16xf32>,
      tpu.vector_store %arg10[%swap3A_538], %add3A_537 {strides = array<i32>} : memref<16xf32, #tpu.memory_space<vmem>>, vector<16xf32>,
      %xor3A_540 = arith.constant 2 : i32
      %xor3A_541 = vector.broadcast %xor3A_540 : i32 to vector<16xi32>
      %xor3A_542 = arith.xori %iota3A_530, %xor3A_541 : vector<16xi32>
      %gather3A_543 = tpu.vector_load_idx %arg10[%xor3A_542] : memref<16xf32, #tpu.memory_space<vmem>>[vector<16xi32>], vector<16xf32>,
      %add3A_544 = arith.addf %add3A_537, %gather3A_543 : vector<16xf32>
      %swap3A_545 = arith.constant 0 : index
      %swap3A_546 = tpu.vector_load %arg10[%swap3A_545] {strides = array<i32>} : memref<16xf32, #tpu.memory_space<vmem>>, vector<16xf32>,
      tpu.vector_store %arg10[%swap3A_545], %add3A_544 {strides = array<i32>} : memref<16xf32, #tpu.memory_space<vmem>>, vector<16xf32>,
      %xor3A_547 = arith.constant 4 : i32
      %xor3A_548 = vector.broadcast %xor3A_547 : i32 to vector<16xi32>
      %xor3A_549 = arith.xori %iota3A_530, %xor3A_548 : vector<16xi32>
      %gather3A_550 = tpu.vector_load_idx %arg10[%xor3A_549] : memref<16xf32, #tpu.memory_space<vmem>>[vector<16xi32>], vector<16xf32>,
      %add3A_551 = arith.addf %add3A_544, %gather3A_550 : vector<16xf32>
      %swap3A_552 = arith.constant 0 : index
      %swap3A_553 = tpu.vector_load %arg10[%swap3A_552] {strides = array<i32>} : memref<16xf32, #tpu.memory_space<vmem>>, vector<16xf32>,
      tpu.vector_store %arg10[%swap3A_552], %add3A_551 {strides = array<i32>} : memref<16xf32, #tpu.memory_space<vmem>>, vector<16xf32>,
      %xor3A_554 = arith.constant 8 : i32
      %xor3A_555 = vector.broadcast %xor3A_554 : i32 to vector<16xi32>
      %xor3A_556 = arith.xori %iota3A_530, %xor3A_555 : vector<16xi32>
      %gather3A_557 = tpu.vector_load_idx %arg10[%xor3A_556] : memref<16xf32, #tpu.memory_space<vmem>>[vector<16xi32>], vector<16xf32>,
      %add3A_558 = arith.addf %add3A_551, %gather3A_557 : vector<16xf32>
      %bitcast3A = vector.bitcast %add3A_558 : vector<16xf32> to vector<16xi32>
      %swap3A_559 = arith.constant 0 : index
      %swap3A_560 = tpu.vector_load %arg7[%swap3A_559] {strides = array<i32>} : memref<16xi32, #tpu.memory_space<vmem>>, vector<16xi32>,
      tpu.vector_store %arg7[%swap3A_559], %bitcast3A {strides = array<i32>} : memref<16xi32, #tpu.memory_space<vmem>>, vector<16xi32>,
      %dma_start3A_561 = arith.constant 272 : i32
      %dma_start3A_562 = tpu.memref_slice %arg11[%dma_start3A_561] : memref<352xi32, #tpu.memory_space<vmem_shared>> -> memref<16xi32, #tpu.memory_space<vmem_shared>>
      %dma_start3A_563 = arith.constant 272 : i32
      %dma_start3A_564 = tpu.memref_slice %arg11[%dma_start3A_563] : memref<352xi32, #tpu.memory_space<vmem_shared>> -> memref<16xi32, #tpu.memory_space<vmem_shared>>
      tpu.enqueue_dma source(%arg7 : memref<16xi32, #tpu.memory_space<vmem>>) target(%dma_start3A_564 : memref<16xi32, #tpu.memory_space<vmem_shared>>) target_semaphore(%arg13 : memref<!tpu.dma_semaphore, #tpu.memory_space<semaphore_mem>>)
    } else {
    }
    %eq3A_9 = arith.constant 12 : i32
    %eq3A_10 = arith.cmpi eq, %arg1, %eq3A_9 : i32
    %convert_element_type3A_11 = arith.extui %eq3A_10 : i1 to i32
    %cond3A_12 = arith.constant 0 : i32
    %cond3A_13 = arith.cmpi ne, %convert_element_type3A_11, %cond3A_12 : i32
    scf.if %cond3A_13 {
      %dma_start3A_475 = arith.constant 512 : i32
      %dma_start3A_476 = tpu.memref_slice %arg3[%dma_start3A_475] : memref<1536xf32, #tpu.memory_space<hbm>> -> memref<256xf32, #tpu.memory_space<hbm>>
      %dma_start3A_477 = arith.constant 512 : i32
      %dma_start3A_478 = tpu.memref_slice %arg3[%dma_start3A_477] : memref<1536xf32, #tpu.memory_space<hbm>> -> memref<256xf32, #tpu.memory_space<hbm>>
      tpu.enqueue_dma source(%dma_start3A_478 : memref<256xf32, #tpu.memory_space<hbm>>) target(%arg9 : memref<256xf32, #tpu.memory_space<vmem>>) target_semaphore(%arg13 : memref<!tpu.dma_semaphore, #tpu.memory_space<semaphore_mem>>)
      %dma_wait3A_479 = arith.constant 512 : i32
      %dma_wait3A_480 = tpu.memref_slice %arg3[%dma_wait3A_479] : memref<1536xf32, #tpu.memory_space<hbm>> -> memref<256xf32, #tpu.memory_space<hbm>>
      %dma_wait3A_481 = arith.constant 512 : i32
      %dma_wait3A_482 = tpu.memref_slice %arg3[%dma_wait3A_481] : memref<1536xf32, #tpu.memory_space<hbm>> -> memref<256xf32, #tpu.memory_space<hbm>>
      tpu.wait_dma2 semaphore(%arg13 : memref<!tpu.dma_semaphore, #tpu.memory_space<semaphore_mem>>) src(%dma_wait3A_482 : memref<256xf32, #tpu.memory_space<hbm>>) dst(%arg9 : memref<256xf32, #tpu.memory_space<vmem>>)
      %get3A_483 = arith.constant 0 : index
      %get3A_484 = tpu.vector_load %arg9[%get3A_483] {strides = array<i32>} : memref<256xf32, #tpu.memory_space<vmem>>, vector<16xf32>,
      %get3A_485 = arith.constant 16 : index
      %get3A_486 = tpu.vector_load %arg9[%get3A_485] {strides = array<i32>} : memref<256xf32, #tpu.memory_space<vmem>>, vector<16xf32>,
      %get3A_487 = arith.constant 32 : index
      %get3A_488 = tpu.vector_load %arg9[%get3A_487] {strides = array<i32>} : memref<256xf32, #tpu.memory_space<vmem>>, vector<16xf32>,
      %add3A_489 = arith.addf %get3A_484, %get3A_488 : vector<16xf32>
      %get3A_490 = arith.constant 48 : index
      %get3A_491 = tpu.vector_load %arg9[%get3A_490] {strides = array<i32>} : memref<256xf32, #tpu.memory_space<vmem>>, vector<16xf32>,
      %add3A_492 = arith.addf %get3A_486, %get3A_491 : vector<16xf32>
      %get3A_493 = arith.constant 64 : index
      %get3A_494 = tpu.vector_load %arg9[%get3A_493] {strides = array<i32>} : memref<256xf32, #tpu.memory_space<vmem>>, vector<16xf32>,
      %add3A_495 = arith.addf %add3A_489, %get3A_494 : vector<16xf32>
      %get3A_496 = arith.constant 80 : index
      %get3A_497 = tpu.vector_load %arg9[%get3A_496] {strides = array<i32>} : memref<256xf32, #tpu.memory_space<vmem>>, vector<16xf32>,
      %add3A_498 = arith.addf %add3A_492, %get3A_497 : vector<16xf32>
      %get3A_499 = arith.constant 96 : index
      %get3A_500 = tpu.vector_load %arg9[%get3A_499] {strides = array<i32>} : memref<256xf32, #tpu.memory_space<vmem>>, vector<16xf32>,
      %add3A_501 = arith.addf %add3A_495, %get3A_500 : vector<16xf32>
      %get3A_502 = arith.constant 112 : index
      %get3A_503 = tpu.vector_load %arg9[%get3A_502] {strides = array<i32>} : memref<256xf32, #tpu.memory_space<vmem>>, vector<16xf32>,
      %add3A_504 = arith.addf %add3A_498, %get3A_503 : vector<16xf32>
      %get3A_505 = arith.constant 128 : index
      %get3A_506 = tpu.vector_load %arg9[%get3A_505] {strides = array<i32>} : memref<256xf32, #tpu.memory_space<vmem>>, vector<16xf32>,
      %add3A_507 = arith.addf %add3A_501, %get3A_506 : vector<16xf32>
      %get3A_508 = arith.constant 144 : index
      %get3A_509 = tpu.vector_load %arg9[%get3A_508] {strides = array<i32>} : memref<256xf32, #tpu.memory_space<vmem>>, vector<16xf32>,
      %add3A_510 = arith.addf %add3A_504, %get3A_509 : vector<16xf32>
      %get3A_511 = arith.constant 160 : index
      %get3A_512 = tpu.vector_load %arg9[%get3A_511] {strides = array<i32>} : memref<256xf32, #tpu.memory_space<vmem>>, vector<16xf32>,
      %add3A_513 = arith.addf %add3A_507, %get3A_512 : vector<16xf32>
      %get3A_514 = arith.constant 176 : index
      %get3A_515 = tpu.vector_load %arg9[%get3A_514] {strides = array<i32>} : memref<256xf32, #tpu.memory_space<vmem>>, vector<16xf32>,
      %add3A_516 = arith.addf %add3A_510, %get3A_515 : vector<16xf32>
      %get3A_517 = arith.constant 192 : index
      %get3A_518 = tpu.vector_load %arg9[%get3A_517] {strides = array<i32>} : memref<256xf32, #tpu.memory_space<vmem>>, vector<16xf32>,
      %add3A_519 = arith.addf %add3A_513, %get3A_518 : vector<16xf32>
      %get3A_520 = arith.constant 208 : index
      %get3A_521 = tpu.vector_load %arg9[%get3A_520] {strides = array<i32>} : memref<256xf32, #tpu.memory_space<vmem>>, vector<16xf32>,
      %add3A_522 = arith.addf %add3A_516, %get3A_521 : vector<16xf32>
      %get3A_523 = arith.constant 224 : index
      %get3A_524 = tpu.vector_load %arg9[%get3A_523] {strides = array<i32>} : memref<256xf32, #tpu.memory_space<vmem>>, vector<16xf32>,
      %add3A_525 = arith.addf %add3A_519, %get3A_524 : vector<16xf32>
      %get3A_526 = arith.constant 240 : index
      %get3A_527 = tpu.vector_load %arg9[%get3A_526] {strides = array<i32>} : memref<256xf32, #tpu.memory_space<vmem>>, vector<16xf32>,
      %add3A_528 = arith.addf %add3A_522, %get3A_527 : vector<16xf32>
      %add3A_529 = arith.addf %add3A_525, %add3A_528 : vector<16xf32>
      %iota3A_530 = tpu.iota {dimensions = array<i32: 0>} : vector<16xi32>
      %swap3A_531 = arith.constant 0 : index
      %swap3A_532 = tpu.vector_load %arg10[%swap3A_531] {strides = array<i32>} : memref<16xf32, #tpu.memory_space<vmem>>, vector<16xf32>,
      tpu.vector_store %arg10[%swap3A_531], %add3A_529 {strides = array<i32>} : memref<16xf32, #tpu.memory_space<vmem>>, vector<16xf32>,
      %xor3A_533 = arith.constant 1 : i32
      %xor3A_534 = vector.broadcast %xor3A_533 : i32 to vector<16xi32>
      %xor3A_535 = arith.xori %iota3A_530, %xor3A_534 : vector<16xi32>
      %gather3A_536 = tpu.vector_load_idx %arg10[%xor3A_535] : memref<16xf32, #tpu.memory_space<vmem>>[vector<16xi32>], vector<16xf32>,
      %add3A_537 = arith.addf %add3A_529, %gather3A_536 : vector<16xf32>
      %swap3A_538 = arith.constant 0 : index
      %swap3A_539 = tpu.vector_load %arg10[%swap3A_538] {strides = array<i32>} : memref<16xf32, #tpu.memory_space<vmem>>, vector<16xf32>,
      tpu.vector_store %arg10[%swap3A_538], %add3A_537 {strides = array<i32>} : memref<16xf32, #tpu.memory_space<vmem>>, vector<16xf32>,
      %xor3A_540 = arith.constant 2 : i32
      %xor3A_541 = vector.broadcast %xor3A_540 : i32 to vector<16xi32>
      %xor3A_542 = arith.xori %iota3A_530, %xor3A_541 : vector<16xi32>
      %gather3A_543 = tpu.vector_load_idx %arg10[%xor3A_542] : memref<16xf32, #tpu.memory_space<vmem>>[vector<16xi32>], vector<16xf32>,
      %add3A_544 = arith.addf %add3A_537, %gather3A_543 : vector<16xf32>
      %swap3A_545 = arith.constant 0 : index
      %swap3A_546 = tpu.vector_load %arg10[%swap3A_545] {strides = array<i32>} : memref<16xf32, #tpu.memory_space<vmem>>, vector<16xf32>,
      tpu.vector_store %arg10[%swap3A_545], %add3A_544 {strides = array<i32>} : memref<16xf32, #tpu.memory_space<vmem>>, vector<16xf32>,
      %xor3A_547 = arith.constant 4 : i32
      %xor3A_548 = vector.broadcast %xor3A_547 : i32 to vector<16xi32>
      %xor3A_549 = arith.xori %iota3A_530, %xor3A_548 : vector<16xi32>
      %gather3A_550 = tpu.vector_load_idx %arg10[%xor3A_549] : memref<16xf32, #tpu.memory_space<vmem>>[vector<16xi32>], vector<16xf32>,
      %add3A_551 = arith.addf %add3A_544, %gather3A_550 : vector<16xf32>
      %swap3A_552 = arith.constant 0 : index
      %swap3A_553 = tpu.vector_load %arg10[%swap3A_552] {strides = array<i32>} : memref<16xf32, #tpu.memory_space<vmem>>, vector<16xf32>,
      tpu.vector_store %arg10[%swap3A_552], %add3A_551 {strides = array<i32>} : memref<16xf32, #tpu.memory_space<vmem>>, vector<16xf32>,
      %xor3A_554 = arith.constant 8 : i32
      %xor3A_555 = vector.broadcast %xor3A_554 : i32 to vector<16xi32>
      %xor3A_556 = arith.xori %iota3A_530, %xor3A_555 : vector<16xi32>
      %gather3A_557 = tpu.vector_load_idx %arg10[%xor3A_556] : memref<16xf32, #tpu.memory_space<vmem>>[vector<16xi32>], vector<16xf32>,
      %add3A_558 = arith.addf %add3A_551, %gather3A_557 : vector<16xf32>
      %bitcast3A = vector.bitcast %add3A_558 : vector<16xf32> to vector<16xi32>
      %swap3A_559 = arith.constant 0 : index
      %swap3A_560 = tpu.vector_load %arg7[%swap3A_559] {strides = array<i32>} : memref<16xi32, #tpu.memory_space<vmem>>, vector<16xi32>,
      tpu.vector_store %arg7[%swap3A_559], %bitcast3A {strides = array<i32>} : memref<16xi32, #tpu.memory_space<vmem>>, vector<16xi32>,
      %dma_start3A_561 = arith.constant 288 : i32
      %dma_start3A_562 = tpu.memref_slice %arg11[%dma_start3A_561] : memref<352xi32, #tpu.memory_space<vmem_shared>> -> memref<16xi32, #tpu.memory_space<vmem_shared>>
      %dma_start3A_563 = arith.constant 288 : i32
      %dma_start3A_564 = tpu.memref_slice %arg11[%dma_start3A_563] : memref<352xi32, #tpu.memory_space<vmem_shared>> -> memref<16xi32, #tpu.memory_space<vmem_shared>>
      tpu.enqueue_dma source(%arg7 : memref<16xi32, #tpu.memory_space<vmem>>) target(%dma_start3A_564 : memref<16xi32, #tpu.memory_space<vmem_shared>>) target_semaphore(%arg13 : memref<!tpu.dma_semaphore, #tpu.memory_space<semaphore_mem>>)
    } else {
    }
    %eq3A_14 = arith.constant 13 : i32
    %eq3A_15 = arith.cmpi eq, %arg1, %eq3A_14 : i32
    %convert_element_type3A_16 = arith.extui %eq3A_15 : i1 to i32
    %cond3A_17 = arith.constant 0 : i32
    %cond3A_18 = arith.cmpi ne, %convert_element_type3A_16, %cond3A_17 : i32
    scf.if %cond3A_18 {
      %dma_start3A_475 = arith.constant 768 : i32
      %dma_start3A_476 = tpu.memref_slice %arg3[%dma_start3A_475] : memref<1536xf32, #tpu.memory_space<hbm>> -> memref<256xf32, #tpu.memory_space<hbm>>
      %dma_start3A_477 = arith.constant 768 : i32
      %dma_start3A_478 = tpu.memref_slice %arg3[%dma_start3A_477] : memref<1536xf32, #tpu.memory_space<hbm>> -> memref<256xf32, #tpu.memory_space<hbm>>
      tpu.enqueue_dma source(%dma_start3A_478 : memref<256xf32, #tpu.memory_space<hbm>>) target(%arg9 : memref<256xf32, #tpu.memory_space<vmem>>) target_semaphore(%arg13 : memref<!tpu.dma_semaphore, #tpu.memory_space<semaphore_mem>>)
      %dma_wait3A_479 = arith.constant 768 : i32
      %dma_wait3A_480 = tpu.memref_slice %arg3[%dma_wait3A_479] : memref<1536xf32, #tpu.memory_space<hbm>> -> memref<256xf32, #tpu.memory_space<hbm>>
      %dma_wait3A_481 = arith.constant 768 : i32
      %dma_wait3A_482 = tpu.memref_slice %arg3[%dma_wait3A_481] : memref<1536xf32, #tpu.memory_space<hbm>> -> memref<256xf32, #tpu.memory_space<hbm>>
      tpu.wait_dma2 semaphore(%arg13 : memref<!tpu.dma_semaphore, #tpu.memory_space<semaphore_mem>>) src(%dma_wait3A_482 : memref<256xf32, #tpu.memory_space<hbm>>) dst(%arg9 : memref<256xf32, #tpu.memory_space<vmem>>)
      %get3A_483 = arith.constant 0 : index
      %get3A_484 = tpu.vector_load %arg9[%get3A_483] {strides = array<i32>} : memref<256xf32, #tpu.memory_space<vmem>>, vector<16xf32>,
      %get3A_485 = arith.constant 16 : index
      %get3A_486 = tpu.vector_load %arg9[%get3A_485] {strides = array<i32>} : memref<256xf32, #tpu.memory_space<vmem>>, vector<16xf32>,
      %get3A_487 = arith.constant 32 : index
      %get3A_488 = tpu.vector_load %arg9[%get3A_487] {strides = array<i32>} : memref<256xf32, #tpu.memory_space<vmem>>, vector<16xf32>,
      %add3A_489 = arith.addf %get3A_484, %get3A_488 : vector<16xf32>
      %get3A_490 = arith.constant 48 : index
      %get3A_491 = tpu.vector_load %arg9[%get3A_490] {strides = array<i32>} : memref<256xf32, #tpu.memory_space<vmem>>, vector<16xf32>,
      %add3A_492 = arith.addf %get3A_486, %get3A_491 : vector<16xf32>
      %get3A_493 = arith.constant 64 : index
      %get3A_494 = tpu.vector_load %arg9[%get3A_493] {strides = array<i32>} : memref<256xf32, #tpu.memory_space<vmem>>, vector<16xf32>,
      %add3A_495 = arith.addf %add3A_489, %get3A_494 : vector<16xf32>
      %get3A_496 = arith.constant 80 : index
      %get3A_497 = tpu.vector_load %arg9[%get3A_496] {strides = array<i32>} : memref<256xf32, #tpu.memory_space<vmem>>, vector<16xf32>,
      %add3A_498 = arith.addf %add3A_492, %get3A_497 : vector<16xf32>
      %get3A_499 = arith.constant 96 : index
      %get3A_500 = tpu.vector_load %arg9[%get3A_499] {strides = array<i32>} : memref<256xf32, #tpu.memory_space<vmem>>, vector<16xf32>,
      %add3A_501 = arith.addf %add3A_495, %get3A_500 : vector<16xf32>
      %get3A_502 = arith.constant 112 : index
      %get3A_503 = tpu.vector_load %arg9[%get3A_502] {strides = array<i32>} : memref<256xf32, #tpu.memory_space<vmem>>, vector<16xf32>,
      %add3A_504 = arith.addf %add3A_498, %get3A_503 : vector<16xf32>
      %get3A_505 = arith.constant 128 : index
      %get3A_506 = tpu.vector_load %arg9[%get3A_505] {strides = array<i32>} : memref<256xf32, #tpu.memory_space<vmem>>, vector<16xf32>,
      %add3A_507 = arith.addf %add3A_501, %get3A_506 : vector<16xf32>
      %get3A_508 = arith.constant 144 : index
      %get3A_509 = tpu.vector_load %arg9[%get3A_508] {strides = array<i32>} : memref<256xf32, #tpu.memory_space<vmem>>, vector<16xf32>,
      %add3A_510 = arith.addf %add3A_504, %get3A_509 : vector<16xf32>
      %get3A_511 = arith.constant 160 : index
      %get3A_512 = tpu.vector_load %arg9[%get3A_511] {strides = array<i32>} : memref<256xf32, #tpu.memory_space<vmem>>, vector<16xf32>,
      %add3A_513 = arith.addf %add3A_507, %get3A_512 : vector<16xf32>
      %get3A_514 = arith.constant 176 : index
      %get3A_515 = tpu.vector_load %arg9[%get3A_514] {strides = array<i32>} : memref<256xf32, #tpu.memory_space<vmem>>, vector<16xf32>,
      %add3A_516 = arith.addf %add3A_510, %get3A_515 : vector<16xf32>
      %get3A_517 = arith.constant 192 : index
      %get3A_518 = tpu.vector_load %arg9[%get3A_517] {strides = array<i32>} : memref<256xf32, #tpu.memory_space<vmem>>, vector<16xf32>,
      %add3A_519 = arith.addf %add3A_513, %get3A_518 : vector<16xf32>
      %get3A_520 = arith.constant 208 : index
      %get3A_521 = tpu.vector_load %arg9[%get3A_520] {strides = array<i32>} : memref<256xf32, #tpu.memory_space<vmem>>, vector<16xf32>,
      %add3A_522 = arith.addf %add3A_516, %get3A_521 : vector<16xf32>
      %get3A_523 = arith.constant 224 : index
      %get3A_524 = tpu.vector_load %arg9[%get3A_523] {strides = array<i32>} : memref<256xf32, #tpu.memory_space<vmem>>, vector<16xf32>,
      %add3A_525 = arith.addf %add3A_519, %get3A_524 : vector<16xf32>
      %get3A_526 = arith.constant 240 : index
      %get3A_527 = tpu.vector_load %arg9[%get3A_526] {strides = array<i32>} : memref<256xf32, #tpu.memory_space<vmem>>, vector<16xf32>,
      %add3A_528 = arith.addf %add3A_522, %get3A_527 : vector<16xf32>
      %add3A_529 = arith.addf %add3A_525, %add3A_528 : vector<16xf32>
      %iota3A_530 = tpu.iota {dimensions = array<i32: 0>} : vector<16xi32>
      %swap3A_531 = arith.constant 0 : index
      %swap3A_532 = tpu.vector_load %arg10[%swap3A_531] {strides = array<i32>} : memref<16xf32, #tpu.memory_space<vmem>>, vector<16xf32>,
      tpu.vector_store %arg10[%swap3A_531], %add3A_529 {strides = array<i32>} : memref<16xf32, #tpu.memory_space<vmem>>, vector<16xf32>,
      %xor3A_533 = arith.constant 1 : i32
      %xor3A_534 = vector.broadcast %xor3A_533 : i32 to vector<16xi32>
      %xor3A_535 = arith.xori %iota3A_530, %xor3A_534 : vector<16xi32>
      %gather3A_536 = tpu.vector_load_idx %arg10[%xor3A_535] : memref<16xf32, #tpu.memory_space<vmem>>[vector<16xi32>], vector<16xf32>,
      %add3A_537 = arith.addf %add3A_529, %gather3A_536 : vector<16xf32>
      %swap3A_538 = arith.constant 0 : index
      %swap3A_539 = tpu.vector_load %arg10[%swap3A_538] {strides = array<i32>} : memref<16xf32, #tpu.memory_space<vmem>>, vector<16xf32>,
      tpu.vector_store %arg10[%swap3A_538], %add3A_537 {strides = array<i32>} : memref<16xf32, #tpu.memory_space<vmem>>, vector<16xf32>,
      %xor3A_540 = arith.constant 2 : i32
      %xor3A_541 = vector.broadcast %xor3A_540 : i32 to vector<16xi32>
      %xor3A_542 = arith.xori %iota3A_530, %xor3A_541 : vector<16xi32>
      %gather3A_543 = tpu.vector_load_idx %arg10[%xor3A_542] : memref<16xf32, #tpu.memory_space<vmem>>[vector<16xi32>], vector<16xf32>,
      %add3A_544 = arith.addf %add3A_537, %gather3A_543 : vector<16xf32>
      %swap3A_545 = arith.constant 0 : index
      %swap3A_546 = tpu.vector_load %arg10[%swap3A_545] {strides = array<i32>} : memref<16xf32, #tpu.memory_space<vmem>>, vector<16xf32>,
      tpu.vector_store %arg10[%swap3A_545], %add3A_544 {strides = array<i32>} : memref<16xf32, #tpu.memory_space<vmem>>, vector<16xf32>,
      %xor3A_547 = arith.constant 4 : i32
      %xor3A_548 = vector.broadcast %xor3A_547 : i32 to vector<16xi32>
      %xor3A_549 = arith.xori %iota3A_530, %xor3A_548 : vector<16xi32>
      %gather3A_550 = tpu.vector_load_idx %arg10[%xor3A_549] : memref<16xf32, #tpu.memory_space<vmem>>[vector<16xi32>], vector<16xf32>,
      %add3A_551 = arith.addf %add3A_544, %gather3A_550 : vector<16xf32>
      %swap3A_552 = arith.constant 0 : index
      %swap3A_553 = tpu.vector_load %arg10[%swap3A_552] {strides = array<i32>} : memref<16xf32, #tpu.memory_space<vmem>>, vector<16xf32>,
      tpu.vector_store %arg10[%swap3A_552], %add3A_551 {strides = array<i32>} : memref<16xf32, #tpu.memory_space<vmem>>, vector<16xf32>,
      %xor3A_554 = arith.constant 8 : i32
      %xor3A_555 = vector.broadcast %xor3A_554 : i32 to vector<16xi32>
      %xor3A_556 = arith.xori %iota3A_530, %xor3A_555 : vector<16xi32>
      %gather3A_557 = tpu.vector_load_idx %arg10[%xor3A_556] : memref<16xf32, #tpu.memory_space<vmem>>[vector<16xi32>], vector<16xf32>,
      %add3A_558 = arith.addf %add3A_551, %gather3A_557 : vector<16xf32>
      %bitcast3A = vector.bitcast %add3A_558 : vector<16xf32> to vector<16xi32>
      %swap3A_559 = arith.constant 0 : index
      %swap3A_560 = tpu.vector_load %arg7[%swap3A_559] {strides = array<i32>} : memref<16xi32, #tpu.memory_space<vmem>>, vector<16xi32>,
      tpu.vector_store %arg7[%swap3A_559], %bitcast3A {strides = array<i32>} : memref<16xi32, #tpu.memory_space<vmem>>, vector<16xi32>,
      %dma_start3A_561 = arith.constant 304 : i32
      %dma_start3A_562 = tpu.memref_slice %arg11[%dma_start3A_561] : memref<352xi32, #tpu.memory_space<vmem_shared>> -> memref<16xi32, #tpu.memory_space<vmem_shared>>
      %dma_start3A_563 = arith.constant 304 : i32
      %dma_start3A_564 = tpu.memref_slice %arg11[%dma_start3A_563] : memref<352xi32, #tpu.memory_space<vmem_shared>> -> memref<16xi32, #tpu.memory_space<vmem_shared>>
      tpu.enqueue_dma source(%arg7 : memref<16xi32, #tpu.memory_space<vmem>>) target(%dma_start3A_564 : memref<16xi32, #tpu.memory_space<vmem_shared>>) target_semaphore(%arg13 : memref<!tpu.dma_semaphore, #tpu.memory_space<semaphore_mem>>)
    } else {
    }
    %eq3A_19 = arith.constant 14 : i32
    %eq3A_20 = arith.cmpi eq, %arg1, %eq3A_19 : i32
    %convert_element_type3A_21 = arith.extui %eq3A_20 : i1 to i32
    %cond3A_22 = arith.constant 0 : i32
    %cond3A_23 = arith.cmpi ne, %convert_element_type3A_21, %cond3A_22 : i32
    scf.if %cond3A_23 {
      %dma_start3A_475 = arith.constant 1024 : i32
      %dma_start3A_476 = tpu.memref_slice %arg3[%dma_start3A_475] : memref<1536xf32, #tpu.memory_space<hbm>> -> memref<256xf32, #tpu.memory_space<hbm>>
      %dma_start3A_477 = arith.constant 1024 : i32
      %dma_start3A_478 = tpu.memref_slice %arg3[%dma_start3A_477] : memref<1536xf32, #tpu.memory_space<hbm>> -> memref<256xf32, #tpu.memory_space<hbm>>
      tpu.enqueue_dma source(%dma_start3A_478 : memref<256xf32, #tpu.memory_space<hbm>>) target(%arg9 : memref<256xf32, #tpu.memory_space<vmem>>) target_semaphore(%arg13 : memref<!tpu.dma_semaphore, #tpu.memory_space<semaphore_mem>>)
      %dma_wait3A_479 = arith.constant 1024 : i32
      %dma_wait3A_480 = tpu.memref_slice %arg3[%dma_wait3A_479] : memref<1536xf32, #tpu.memory_space<hbm>> -> memref<256xf32, #tpu.memory_space<hbm>>
      %dma_wait3A_481 = arith.constant 1024 : i32
      %dma_wait3A_482 = tpu.memref_slice %arg3[%dma_wait3A_481] : memref<1536xf32, #tpu.memory_space<hbm>> -> memref<256xf32, #tpu.memory_space<hbm>>
      tpu.wait_dma2 semaphore(%arg13 : memref<!tpu.dma_semaphore, #tpu.memory_space<semaphore_mem>>) src(%dma_wait3A_482 : memref<256xf32, #tpu.memory_space<hbm>>) dst(%arg9 : memref<256xf32, #tpu.memory_space<vmem>>)
      %get3A_483 = arith.constant 0 : index
      %get3A_484 = tpu.vector_load %arg9[%get3A_483] {strides = array<i32>} : memref<256xf32, #tpu.memory_space<vmem>>, vector<16xf32>,
      %get3A_485 = arith.constant 16 : index
      %get3A_486 = tpu.vector_load %arg9[%get3A_485] {strides = array<i32>} : memref<256xf32, #tpu.memory_space<vmem>>, vector<16xf32>,
      %get3A_487 = arith.constant 32 : index
      %get3A_488 = tpu.vector_load %arg9[%get3A_487] {strides = array<i32>} : memref<256xf32, #tpu.memory_space<vmem>>, vector<16xf32>,
      %add3A_489 = arith.addf %get3A_484, %get3A_488 : vector<16xf32>
      %get3A_490 = arith.constant 48 : index
      %get3A_491 = tpu.vector_load %arg9[%get3A_490] {strides = array<i32>} : memref<256xf32, #tpu.memory_space<vmem>>, vector<16xf32>,
      %add3A_492 = arith.addf %get3A_486, %get3A_491 : vector<16xf32>
      %get3A_493 = arith.constant 64 : index
      %get3A_494 = tpu.vector_load %arg9[%get3A_493] {strides = array<i32>} : memref<256xf32, #tpu.memory_space<vmem>>, vector<16xf32>,
      %add3A_495 = arith.addf %add3A_489, %get3A_494 : vector<16xf32>
      %get3A_496 = arith.constant 80 : index
      %get3A_497 = tpu.vector_load %arg9[%get3A_496] {strides = array<i32>} : memref<256xf32, #tpu.memory_space<vmem>>, vector<16xf32>,
      %add3A_498 = arith.addf %add3A_492, %get3A_497 : vector<16xf32>
      %get3A_499 = arith.constant 96 : index
      %get3A_500 = tpu.vector_load %arg9[%get3A_499] {strides = array<i32>} : memref<256xf32, #tpu.memory_space<vmem>>, vector<16xf32>,
      %add3A_501 = arith.addf %add3A_495, %get3A_500 : vector<16xf32>
      %get3A_502 = arith.constant 112 : index
      %get3A_503 = tpu.vector_load %arg9[%get3A_502] {strides = array<i32>} : memref<256xf32, #tpu.memory_space<vmem>>, vector<16xf32>,
      %add3A_504 = arith.addf %add3A_498, %get3A_503 : vector<16xf32>
      %get3A_505 = arith.constant 128 : index
      %get3A_506 = tpu.vector_load %arg9[%get3A_505] {strides = array<i32>} : memref<256xf32, #tpu.memory_space<vmem>>, vector<16xf32>,
      %add3A_507 = arith.addf %add3A_501, %get3A_506 : vector<16xf32>
      %get3A_508 = arith.constant 144 : index
      %get3A_509 = tpu.vector_load %arg9[%get3A_508] {strides = array<i32>} : memref<256xf32, #tpu.memory_space<vmem>>, vector<16xf32>,
      %add3A_510 = arith.addf %add3A_504, %get3A_509 : vector<16xf32>
      %get3A_511 = arith.constant 160 : index
      %get3A_512 = tpu.vector_load %arg9[%get3A_511] {strides = array<i32>} : memref<256xf32, #tpu.memory_space<vmem>>, vector<16xf32>,
      %add3A_513 = arith.addf %add3A_507, %get3A_512 : vector<16xf32>
      %get3A_514 = arith.constant 176 : index
      %get3A_515 = tpu.vector_load %arg9[%get3A_514] {strides = array<i32>} : memref<256xf32, #tpu.memory_space<vmem>>, vector<16xf32>,
      %add3A_516 = arith.addf %add3A_510, %get3A_515 : vector<16xf32>
      %get3A_517 = arith.constant 192 : index
      %get3A_518 = tpu.vector_load %arg9[%get3A_517] {strides = array<i32>} : memref<256xf32, #tpu.memory_space<vmem>>, vector<16xf32>,
      %add3A_519 = arith.addf %add3A_513, %get3A_518 : vector<16xf32>
      %get3A_520 = arith.constant 208 : index
      %get3A_521 = tpu.vector_load %arg9[%get3A_520] {strides = array<i32>} : memref<256xf32, #tpu.memory_space<vmem>>, vector<16xf32>,
      %add3A_522 = arith.addf %add3A_516, %get3A_521 : vector<16xf32>
      %get3A_523 = arith.constant 224 : index
      %get3A_524 = tpu.vector_load %arg9[%get3A_523] {strides = array<i32>} : memref<256xf32, #tpu.memory_space<vmem>>, vector<16xf32>,
      %add3A_525 = arith.addf %add3A_519, %get3A_524 : vector<16xf32>
      %get3A_526 = arith.constant 240 : index
      %get3A_527 = tpu.vector_load %arg9[%get3A_526] {strides = array<i32>} : memref<256xf32, #tpu.memory_space<vmem>>, vector<16xf32>,
      %add3A_528 = arith.addf %add3A_522, %get3A_527 : vector<16xf32>
      %add3A_529 = arith.addf %add3A_525, %add3A_528 : vector<16xf32>
      %iota3A_530 = tpu.iota {dimensions = array<i32: 0>} : vector<16xi32>
      %swap3A_531 = arith.constant 0 : index
      %swap3A_532 = tpu.vector_load %arg10[%swap3A_531] {strides = array<i32>} : memref<16xf32, #tpu.memory_space<vmem>>, vector<16xf32>,
      tpu.vector_store %arg10[%swap3A_531], %add3A_529 {strides = array<i32>} : memref<16xf32, #tpu.memory_space<vmem>>, vector<16xf32>,
      %xor3A_533 = arith.constant 1 : i32
      %xor3A_534 = vector.broadcast %xor3A_533 : i32 to vector<16xi32>
      %xor3A_535 = arith.xori %iota3A_530, %xor3A_534 : vector<16xi32>
      %gather3A_536 = tpu.vector_load_idx %arg10[%xor3A_535] : memref<16xf32, #tpu.memory_space<vmem>>[vector<16xi32>], vector<16xf32>,
      %add3A_537 = arith.addf %add3A_529, %gather3A_536 : vector<16xf32>
      %swap3A_538 = arith.constant 0 : index
      %swap3A_539 = tpu.vector_load %arg10[%swap3A_538] {strides = array<i32>} : memref<16xf32, #tpu.memory_space<vmem>>, vector<16xf32>,
      tpu.vector_store %arg10[%swap3A_538], %add3A_537 {strides = array<i32>} : memref<16xf32, #tpu.memory_space<vmem>>, vector<16xf32>,
      %xor3A_540 = arith.constant 2 : i32
      %xor3A_541 = vector.broadcast %xor3A_540 : i32 to vector<16xi32>
      %xor3A_542 = arith.xori %iota3A_530, %xor3A_541 : vector<16xi32>
      %gather3A_543 = tpu.vector_load_idx %arg10[%xor3A_542] : memref<16xf32, #tpu.memory_space<vmem>>[vector<16xi32>], vector<16xf32>,
      %add3A_544 = arith.addf %add3A_537, %gather3A_543 : vector<16xf32>
      %swap3A_545 = arith.constant 0 : index
      %swap3A_546 = tpu.vector_load %arg10[%swap3A_545] {strides = array<i32>} : memref<16xf32, #tpu.memory_space<vmem>>, vector<16xf32>,
      tpu.vector_store %arg10[%swap3A_545], %add3A_544 {strides = array<i32>} : memref<16xf32, #tpu.memory_space<vmem>>, vector<16xf32>,
      %xor3A_547 = arith.constant 4 : i32
      %xor3A_548 = vector.broadcast %xor3A_547 : i32 to vector<16xi32>
      %xor3A_549 = arith.xori %iota3A_530, %xor3A_548 : vector<16xi32>
      %gather3A_550 = tpu.vector_load_idx %arg10[%xor3A_549] : memref<16xf32, #tpu.memory_space<vmem>>[vector<16xi32>], vector<16xf32>,
      %add3A_551 = arith.addf %add3A_544, %gather3A_550 : vector<16xf32>
      %swap3A_552 = arith.constant 0 : index
      %swap3A_553 = tpu.vector_load %arg10[%swap3A_552] {strides = array<i32>} : memref<16xf32, #tpu.memory_space<vmem>>, vector<16xf32>,
      tpu.vector_store %arg10[%swap3A_552], %add3A_551 {strides = array<i32>} : memref<16xf32, #tpu.memory_space<vmem>>, vector<16xf32>,
      %xor3A_554 = arith.constant 8 : i32
      %xor3A_555 = vector.broadcast %xor3A_554 : i32 to vector<16xi32>
      %xor3A_556 = arith.xori %iota3A_530, %xor3A_555 : vector<16xi32>
      %gather3A_557 = tpu.vector_load_idx %arg10[%xor3A_556] : memref<16xf32, #tpu.memory_space<vmem>>[vector<16xi32>], vector<16xf32>,
      %add3A_558 = arith.addf %add3A_551, %gather3A_557 : vector<16xf32>
      %bitcast3A = vector.bitcast %add3A_558 : vector<16xf32> to vector<16xi32>
      %swap3A_559 = arith.constant 0 : index
      %swap3A_560 = tpu.vector_load %arg7[%swap3A_559] {strides = array<i32>} : memref<16xi32, #tpu.memory_space<vmem>>, vector<16xi32>,
      tpu.vector_store %arg7[%swap3A_559], %bitcast3A {strides = array<i32>} : memref<16xi32, #tpu.memory_space<vmem>>, vector<16xi32>,
      %dma_start3A_561 = arith.constant 320 : i32
      %dma_start3A_562 = tpu.memref_slice %arg11[%dma_start3A_561] : memref<352xi32, #tpu.memory_space<vmem_shared>> -> memref<16xi32, #tpu.memory_space<vmem_shared>>
      %dma_start3A_563 = arith.constant 320 : i32
      %dma_start3A_564 = tpu.memref_slice %arg11[%dma_start3A_563] : memref<352xi32, #tpu.memory_space<vmem_shared>> -> memref<16xi32, #tpu.memory_space<vmem_shared>>
      tpu.enqueue_dma source(%arg7 : memref<16xi32, #tpu.memory_space<vmem>>) target(%dma_start3A_564 : memref<16xi32, #tpu.memory_space<vmem_shared>>) target_semaphore(%arg13 : memref<!tpu.dma_semaphore, #tpu.memory_space<semaphore_mem>>)
    } else {
    }
    %eq3A_24 = arith.constant 15 : i32
    %eq3A_25 = arith.cmpi eq, %arg1, %eq3A_24 : i32
    %convert_element_type3A_26 = arith.extui %eq3A_25 : i1 to i32
    %cond3A_27 = arith.constant 0 : i32
    %cond3A_28 = arith.cmpi ne, %convert_element_type3A_26, %cond3A_27 : i32
    scf.if %cond3A_28 {
      %dma_start3A_475 = arith.constant 1280 : i32
      %dma_start3A_476 = tpu.memref_slice %arg3[%dma_start3A_475] : memref<1536xf32, #tpu.memory_space<hbm>> -> memref<256xf32, #tpu.memory_space<hbm>>
      %dma_start3A_477 = arith.constant 1280 : i32
      %dma_start3A_478 = tpu.memref_slice %arg3[%dma_start3A_477] : memref<1536xf32, #tpu.memory_space<hbm>> -> memref<256xf32, #tpu.memory_space<hbm>>
      tpu.enqueue_dma source(%dma_start3A_478 : memref<256xf32, #tpu.memory_space<hbm>>) target(%arg9 : memref<256xf32, #tpu.memory_space<vmem>>) target_semaphore(%arg13 : memref<!tpu.dma_semaphore, #tpu.memory_space<semaphore_mem>>)
      %dma_wait3A_479 = arith.constant 1280 : i32
      %dma_wait3A_480 = tpu.memref_slice %arg3[%dma_wait3A_479] : memref<1536xf32, #tpu.memory_space<hbm>> -> memref<256xf32, #tpu.memory_space<hbm>>
      %dma_wait3A_481 = arith.constant 1280 : i32
      %dma_wait3A_482 = tpu.memref_slice %arg3[%dma_wait3A_481] : memref<1536xf32, #tpu.memory_space<hbm>> -> memref<256xf32, #tpu.memory_space<hbm>>
      tpu.wait_dma2 semaphore(%arg13 : memref<!tpu.dma_semaphore, #tpu.memory_space<semaphore_mem>>) src(%dma_wait3A_482 : memref<256xf32, #tpu.memory_space<hbm>>) dst(%arg9 : memref<256xf32, #tpu.memory_space<vmem>>)
      %get3A_483 = arith.constant 0 : index
      %get3A_484 = tpu.vector_load %arg9[%get3A_483] {strides = array<i32>} : memref<256xf32, #tpu.memory_space<vmem>>, vector<16xf32>,
      %get3A_485 = arith.constant 16 : index
      %get3A_486 = tpu.vector_load %arg9[%get3A_485] {strides = array<i32>} : memref<256xf32, #tpu.memory_space<vmem>>, vector<16xf32>,
      %get3A_487 = arith.constant 32 : index
      %get3A_488 = tpu.vector_load %arg9[%get3A_487] {strides = array<i32>} : memref<256xf32, #tpu.memory_space<vmem>>, vector<16xf32>,
      %add3A_489 = arith.addf %get3A_484, %get3A_488 : vector<16xf32>
      %get3A_490 = arith.constant 48 : index
      %get3A_491 = tpu.vector_load %arg9[%get3A_490] {strides = array<i32>} : memref<256xf32, #tpu.memory_space<vmem>>, vector<16xf32>,
      %add3A_492 = arith.addf %get3A_486, %get3A_491 : vector<16xf32>
      %get3A_493 = arith.constant 64 : index
      %get3A_494 = tpu.vector_load %arg9[%get3A_493] {strides = array<i32>} : memref<256xf32, #tpu.memory_space<vmem>>, vector<16xf32>,
      %add3A_495 = arith.addf %add3A_489, %get3A_494 : vector<16xf32>
      %get3A_496 = arith.constant 80 : index
      %get3A_497 = tpu.vector_load %arg9[%get3A_496] {strides = array<i32>} : memref<256xf32, #tpu.memory_space<vmem>>, vector<16xf32>,
      %add3A_498 = arith.addf %add3A_492, %get3A_497 : vector<16xf32>
      %get3A_499 = arith.constant 96 : index
      %get3A_500 = tpu.vector_load %arg9[%get3A_499] {strides = array<i32>} : memref<256xf32, #tpu.memory_space<vmem>>, vector<16xf32>,
      %add3A_501 = arith.addf %add3A_495, %get3A_500 : vector<16xf32>
      %get3A_502 = arith.constant 112 : index
      %get3A_503 = tpu.vector_load %arg9[%get3A_502] {strides = array<i32>} : memref<256xf32, #tpu.memory_space<vmem>>, vector<16xf32>,
      %add3A_504 = arith.addf %add3A_498, %get3A_503 : vector<16xf32>
      %get3A_505 = arith.constant 128 : index
      %get3A_506 = tpu.vector_load %arg9[%get3A_505] {strides = array<i32>} : memref<256xf32, #tpu.memory_space<vmem>>, vector<16xf32>,
      %add3A_507 = arith.addf %add3A_501, %get3A_506 : vector<16xf32>
      %get3A_508 = arith.constant 144 : index
      %get3A_509 = tpu.vector_load %arg9[%get3A_508] {strides = array<i32>} : memref<256xf32, #tpu.memory_space<vmem>>, vector<16xf32>,
      %add3A_510 = arith.addf %add3A_504, %get3A_509 : vector<16xf32>
      %get3A_511 = arith.constant 160 : index
      %get3A_512 = tpu.vector_load %arg9[%get3A_511] {strides = array<i32>} : memref<256xf32, #tpu.memory_space<vmem>>, vector<16xf32>,
      %add3A_513 = arith.addf %add3A_507, %get3A_512 : vector<16xf32>
      %get3A_514 = arith.constant 176 : index
      %get3A_515 = tpu.vector_load %arg9[%get3A_514] {strides = array<i32>} : memref<256xf32, #tpu.memory_space<vmem>>, vector<16xf32>,
      %add3A_516 = arith.addf %add3A_510, %get3A_515 : vector<16xf32>
      %get3A_517 = arith.constant 192 : index
      %get3A_518 = tpu.vector_load %arg9[%get3A_517] {strides = array<i32>} : memref<256xf32, #tpu.memory_space<vmem>>, vector<16xf32>,
      %add3A_519 = arith.addf %add3A_513, %get3A_518 : vector<16xf32>
      %get3A_520 = arith.constant 208 : index
      %get3A_521 = tpu.vector_load %arg9[%get3A_520] {strides = array<i32>} : memref<256xf32, #tpu.memory_space<vmem>>, vector<16xf32>,
      %add3A_522 = arith.addf %add3A_516, %get3A_521 : vector<16xf32>
      %get3A_523 = arith.constant 224 : index
      %get3A_524 = tpu.vector_load %arg9[%get3A_523] {strides = array<i32>} : memref<256xf32, #tpu.memory_space<vmem>>, vector<16xf32>,
      %add3A_525 = arith.addf %add3A_519, %get3A_524 : vector<16xf32>
      %get3A_526 = arith.constant 240 : index
      %get3A_527 = tpu.vector_load %arg9[%get3A_526] {strides = array<i32>} : memref<256xf32, #tpu.memory_space<vmem>>, vector<16xf32>,
      %add3A_528 = arith.addf %add3A_522, %get3A_527 : vector<16xf32>
      %add3A_529 = arith.addf %add3A_525, %add3A_528 : vector<16xf32>
      %iota3A_530 = tpu.iota {dimensions = array<i32: 0>} : vector<16xi32>
      %swap3A_531 = arith.constant 0 : index
      %swap3A_532 = tpu.vector_load %arg10[%swap3A_531] {strides = array<i32>} : memref<16xf32, #tpu.memory_space<vmem>>, vector<16xf32>,
      tpu.vector_store %arg10[%swap3A_531], %add3A_529 {strides = array<i32>} : memref<16xf32, #tpu.memory_space<vmem>>, vector<16xf32>,
      %xor3A_533 = arith.constant 1 : i32
      %xor3A_534 = vector.broadcast %xor3A_533 : i32 to vector<16xi32>
      %xor3A_535 = arith.xori %iota3A_530, %xor3A_534 : vector<16xi32>
      %gather3A_536 = tpu.vector_load_idx %arg10[%xor3A_535] : memref<16xf32, #tpu.memory_space<vmem>>[vector<16xi32>], vector<16xf32>,
      %add3A_537 = arith.addf %add3A_529, %gather3A_536 : vector<16xf32>
      %swap3A_538 = arith.constant 0 : index
      %swap3A_539 = tpu.vector_load %arg10[%swap3A_538] {strides = array<i32>} : memref<16xf32, #tpu.memory_space<vmem>>, vector<16xf32>,
      tpu.vector_store %arg10[%swap3A_538], %add3A_537 {strides = array<i32>} : memref<16xf32, #tpu.memory_space<vmem>>, vector<16xf32>,
      %xor3A_540 = arith.constant 2 : i32
      %xor3A_541 = vector.broadcast %xor3A_540 : i32 to vector<16xi32>
      %xor3A_542 = arith.xori %iota3A_530, %xor3A_541 : vector<16xi32>
      %gather3A_543 = tpu.vector_load_idx %arg10[%xor3A_542] : memref<16xf32, #tpu.memory_space<vmem>>[vector<16xi32>], vector<16xf32>,
      %add3A_544 = arith.addf %add3A_537, %gather3A_543 : vector<16xf32>
      %swap3A_545 = arith.constant 0 : index
      %swap3A_546 = tpu.vector_load %arg10[%swap3A_545] {strides = array<i32>} : memref<16xf32, #tpu.memory_space<vmem>>, vector<16xf32>,
      tpu.vector_store %arg10[%swap3A_545], %add3A_544 {strides = array<i32>} : memref<16xf32, #tpu.memory_space<vmem>>, vector<16xf32>,
      %xor3A_547 = arith.constant 4 : i32
      %xor3A_548 = vector.broadcast %xor3A_547 : i32 to vector<16xi32>
      %xor3A_549 = arith.xori %iota3A_530, %xor3A_548 : vector<16xi32>
      %gather3A_550 = tpu.vector_load_idx %arg10[%xor3A_549] : memref<16xf32, #tpu.memory_space<vmem>>[vector<16xi32>], vector<16xf32>,
      %add3A_551 = arith.addf %add3A_544, %gather3A_550 : vector<16xf32>
      %swap3A_552 = arith.constant 0 : index
      %swap3A_553 = tpu.vector_load %arg10[%swap3A_552] {strides = array<i32>} : memref<16xf32, #tpu.memory_space<vmem>>, vector<16xf32>,
      tpu.vector_store %arg10[%swap3A_552], %add3A_551 {strides = array<i32>} : memref<16xf32, #tpu.memory_space<vmem>>, vector<16xf32>,
      %xor3A_554 = arith.constant 8 : i32
      %xor3A_555 = vector.broadcast %xor3A_554 : i32 to vector<16xi32>
      %xor3A_556 = arith.xori %iota3A_530, %xor3A_555 : vector<16xi32>
      %gather3A_557 = tpu.vector_load_idx %arg10[%xor3A_556] : memref<16xf32, #tpu.memory_space<vmem>>[vector<16xi32>], vector<16xf32>,
      %add3A_558 = arith.addf %add3A_551, %gather3A_557 : vector<16xf32>
      %bitcast3A = vector.bitcast %add3A_558 : vector<16xf32> to vector<16xi32>
      %swap3A_559 = arith.constant 0 : index
      %swap3A_560 = tpu.vector_load %arg7[%swap3A_559] {strides = array<i32>} : memref<16xi32, #tpu.memory_space<vmem>>, vector<16xi32>,
      tpu.vector_store %arg7[%swap3A_559], %bitcast3A {strides = array<i32>} : memref<16xi32, #tpu.memory_space<vmem>>, vector<16xi32>,
      %dma_start3A_561 = arith.constant 336 : i32
      %dma_start3A_562 = tpu.memref_slice %arg11[%dma_start3A_561] : memref<352xi32, #tpu.memory_space<vmem_shared>> -> memref<16xi32, #tpu.memory_space<vmem_shared>>
      %dma_start3A_563 = arith.constant 336 : i32
      %dma_start3A_564 = tpu.memref_slice %arg11[%dma_start3A_563] : memref<352xi32, #tpu.memory_space<vmem_shared>> -> memref<16xi32, #tpu.memory_space<vmem_shared>>
      tpu.enqueue_dma source(%arg7 : memref<16xi32, #tpu.memory_space<vmem>>) target(%dma_start3A_564 : memref<16xi32, #tpu.memory_space<vmem_shared>>) target_semaphore(%arg13 : memref<!tpu.dma_semaphore, #tpu.memory_space<semaphore_mem>>)
    } else {
    }
    %dma_wait3A = tpu.memref_slice %arg2[%mul3A_0] : memref<32768xi32, #tpu.memory_space<hbm>> -> memref<2048xi32, #tpu.memory_space<hbm>>
    %dma_wait3A_29 = tpu.memref_slice %arg2[%mul3A_0] : memref<32768xi32, #tpu.memory_space<hbm>> -> memref<2048xi32, #tpu.memory_space<hbm>>
    tpu.wait_dma2 semaphore(%arg12 : memref<!tpu.dma_semaphore, #tpu.memory_space<semaphore_mem>>) src(%dma_wait3A_29 : memref<2048xi32, #tpu.memory_space<hbm>>) dst(%arg5 : memref<2048xi32, #tpu.memory_space<vmem>>)
    %get3A = arith.constant 0 : index
    %get3A_30 = tpu.vector_load %arg5[%get3A] {strides = array<i32>} : memref<2048xi32, #tpu.memory_space<vmem>>, vector<16xi32>,
    %get3A_31 = arith.constant 16 : index
    %get3A_32 = tpu.vector_load %arg5[%get3A_31] {strides = array<i32>} : memref<2048xi32, #tpu.memory_space<vmem>>, vector<16xi32>,
    %get3A_33 = arith.constant 32 : index
    %get3A_34 = tpu.vector_load %arg5[%get3A_33] {strides = array<i32>} : memref<2048xi32, #tpu.memory_space<vmem>>, vector<16xi32>,
    %add3A = arith.addi %get3A_30, %get3A_34 : vector<16xi32>
    %get3A_35 = arith.constant 48 : index
    %get3A_36 = tpu.vector_load %arg5[%get3A_35] {strides = array<i32>} : memref<2048xi32, #tpu.memory_space<vmem>>, vector<16xi32>,
    %add3A_37 = arith.addi %get3A_32, %get3A_36 : vector<16xi32>
    %get3A_38 = arith.constant 64 : index
    %get3A_39 = tpu.vector_load %arg5[%get3A_38] {strides = array<i32>} : memref<2048xi32, #tpu.memory_space<vmem>>, vector<16xi32>,
    %add3A_40 = arith.addi %add3A, %get3A_39 : vector<16xi32>
    %get3A_41 = arith.constant 80 : index
    %get3A_42 = tpu.vector_load %arg5[%get3A_41] {strides = array<i32>} : memref<2048xi32, #tpu.memory_space<vmem>>, vector<16xi32>,
    %add3A_43 = arith.addi %add3A_37, %get3A_42 : vector<16xi32>
    %get3A_44 = arith.constant 96 : index
    %get3A_45 = tpu.vector_load %arg5[%get3A_44] {strides = array<i32>} : memref<2048xi32, #tpu.memory_space<vmem>>, vector<16xi32>,
    %add3A_46 = arith.addi %add3A_40, %get3A_45 : vector<16xi32>
    %get3A_47 = arith.constant 112 : index
    %get3A_48 = tpu.vector_load %arg5[%get3A_47] {strides = array<i32>} : memref<2048xi32, #tpu.memory_space<vmem>>, vector<16xi32>,
    %add3A_49 = arith.addi %add3A_43, %get3A_48 : vector<16xi32>
    %get3A_50 = arith.constant 128 : index
    %get3A_51 = tpu.vector_load %arg5[%get3A_50] {strides = array<i32>} : memref<2048xi32, #tpu.memory_space<vmem>>, vector<16xi32>,
    %add3A_52 = arith.addi %add3A_46, %get3A_51 : vector<16xi32>
    %get3A_53 = arith.constant 144 : index
    %get3A_54 = tpu.vector_load %arg5[%get3A_53] {strides = array<i32>} : memref<2048xi32, #tpu.memory_space<vmem>>, vector<16xi32>,
    %add3A_55 = arith.addi %add3A_49, %get3A_54 : vector<16xi32>
    %get3A_56 = arith.constant 160 : index
    %get3A_57 = tpu.vector_load %arg5[%get3A_56] {strides = array<i32>} : memref<2048xi32, #tpu.memory_space<vmem>>, vector<16xi32>,
    %add3A_58 = arith.addi %add3A_52, %get3A_57 : vector<16xi32>
    %get3A_59 = arith.constant 176 : index
    %get3A_60 = tpu.vector_load %arg5[%get3A_59] {strides = array<i32>} : memref<2048xi32, #tpu.memory_space<vmem>>, vector<16xi32>,
    %add3A_61 = arith.addi %add3A_55, %get3A_60 : vector<16xi32>
    %get3A_62 = arith.constant 192 : index
    %get3A_63 = tpu.vector_load %arg5[%get3A_62] {strides = array<i32>} : memref<2048xi32, #tpu.memory_space<vmem>>, vector<16xi32>,
    %add3A_64 = arith.addi %add3A_58, %get3A_63 : vector<16xi32>
    %get3A_65 = arith.constant 208 : index
    %get3A_66 = tpu.vector_load %arg5[%get3A_65] {strides = array<i32>} : memref<2048xi32, #tpu.memory_space<vmem>>, vector<16xi32>,
    %add3A_67 = arith.addi %add3A_61, %get3A_66 : vector<16xi32>
    %get3A_68 = arith.constant 224 : index
    %get3A_69 = tpu.vector_load %arg5[%get3A_68] {strides = array<i32>} : memref<2048xi32, #tpu.memory_space<vmem>>, vector<16xi32>,
    %add3A_70 = arith.addi %add3A_64, %get3A_69 : vector<16xi32>
    %get3A_71 = arith.constant 240 : index
    %get3A_72 = tpu.vector_load %arg5[%get3A_71] {strides = array<i32>} : memref<2048xi32, #tpu.memory_space<vmem>>, vector<16xi32>,
    %add3A_73 = arith.addi %add3A_67, %get3A_72 : vector<16xi32>
    %get3A_74 = arith.constant 256 : index
    %get3A_75 = tpu.vector_load %arg5[%get3A_74] {strides = array<i32>} : memref<2048xi32, #tpu.memory_space<vmem>>, vector<16xi32>,
    %add3A_76 = arith.addi %add3A_70, %get3A_75 : vector<16xi32>
    %get3A_77 = arith.constant 272 : index
    %get3A_78 = tpu.vector_load %arg5[%get3A_77] {strides = array<i32>} : memref<2048xi32, #tpu.memory_space<vmem>>, vector<16xi32>,
    %add3A_79 = arith.addi %add3A_73, %get3A_78 : vector<16xi32>
    %get3A_80 = arith.constant 288 : index
    %get3A_81 = tpu.vector_load %arg5[%get3A_80] {strides = array<i32>} : memref<2048xi32, #tpu.memory_space<vmem>>, vector<16xi32>,
    %add3A_82 = arith.addi %add3A_76, %get3A_81 : vector<16xi32>
    %get3A_83 = arith.constant 304 : index
    %get3A_84 = tpu.vector_load %arg5[%get3A_83] {strides = array<i32>} : memref<2048xi32, #tpu.memory_space<vmem>>, vector<16xi32>,
    %add3A_85 = arith.addi %add3A_79, %get3A_84 : vector<16xi32>
    %get3A_86 = arith.constant 320 : index
    %get3A_87 = tpu.vector_load %arg5[%get3A_86] {strides = array<i32>} : memref<2048xi32, #tpu.memory_space<vmem>>, vector<16xi32>,
    %add3A_88 = arith.addi %add3A_82, %get3A_87 : vector<16xi32>
    %get3A_89 = arith.constant 336 : index
    %get3A_90 = tpu.vector_load %arg5[%get3A_89] {strides = array<i32>} : memref<2048xi32, #tpu.memory_space<vmem>>, vector<16xi32>,
    %add3A_91 = arith.addi %add3A_85, %get3A_90 : vector<16xi32>
    %get3A_92 = arith.constant 352 : index
    %get3A_93 = tpu.vector_load %arg5[%get3A_92] {strides = array<i32>} : memref<2048xi32, #tpu.memory_space<vmem>>, vector<16xi32>,
    %add3A_94 = arith.addi %add3A_88, %get3A_93 : vector<16xi32>
    %get3A_95 = arith.constant 368 : index
    %get3A_96 = tpu.vector_load %arg5[%get3A_95] {strides = array<i32>} : memref<2048xi32, #tpu.memory_space<vmem>>, vector<16xi32>,
    %add3A_97 = arith.addi %add3A_91, %get3A_96 : vector<16xi32>
    %get3A_98 = arith.constant 384 : index
    %get3A_99 = tpu.vector_load %arg5[%get3A_98] {strides = array<i32>} : memref<2048xi32, #tpu.memory_space<vmem>>, vector<16xi32>,
    %add3A_100 = arith.addi %add3A_94, %get3A_99 : vector<16xi32>
    %get3A_101 = arith.constant 400 : index
    %get3A_102 = tpu.vector_load %arg5[%get3A_101] {strides = array<i32>} : memref<2048xi32, #tpu.memory_space<vmem>>, vector<16xi32>,
    %add3A_103 = arith.addi %add3A_97, %get3A_102 : vector<16xi32>
    %get3A_104 = arith.constant 416 : index
    %get3A_105 = tpu.vector_load %arg5[%get3A_104] {strides = array<i32>} : memref<2048xi32, #tpu.memory_space<vmem>>, vector<16xi32>,
    %add3A_106 = arith.addi %add3A_100, %get3A_105 : vector<16xi32>
    %get3A_107 = arith.constant 432 : index
    %get3A_108 = tpu.vector_load %arg5[%get3A_107] {strides = array<i32>} : memref<2048xi32, #tpu.memory_space<vmem>>, vector<16xi32>,
    %add3A_109 = arith.addi %add3A_103, %get3A_108 : vector<16xi32>
    %get3A_110 = arith.constant 448 : index
    %get3A_111 = tpu.vector_load %arg5[%get3A_110] {strides = array<i32>} : memref<2048xi32, #tpu.memory_space<vmem>>, vector<16xi32>,
    %add3A_112 = arith.addi %add3A_106, %get3A_111 : vector<16xi32>
    %get3A_113 = arith.constant 464 : index
    %get3A_114 = tpu.vector_load %arg5[%get3A_113] {strides = array<i32>} : memref<2048xi32, #tpu.memory_space<vmem>>, vector<16xi32>,
    %add3A_115 = arith.addi %add3A_109, %get3A_114 : vector<16xi32>
    %get3A_116 = arith.constant 480 : index
    %get3A_117 = tpu.vector_load %arg5[%get3A_116] {strides = array<i32>} : memref<2048xi32, #tpu.memory_space<vmem>>, vector<16xi32>,
    %add3A_118 = arith.addi %add3A_112, %get3A_117 : vector<16xi32>
    %get3A_119 = arith.constant 496 : index
    %get3A_120 = tpu.vector_load %arg5[%get3A_119] {strides = array<i32>} : memref<2048xi32, #tpu.memory_space<vmem>>, vector<16xi32>,
    %add3A_121 = arith.addi %add3A_115, %get3A_120 : vector<16xi32>
    %get3A_122 = arith.constant 512 : index
    %get3A_123 = tpu.vector_load %arg5[%get3A_122] {strides = array<i32>} : memref<2048xi32, #tpu.memory_space<vmem>>, vector<16xi32>,
    %add3A_124 = arith.addi %add3A_118, %get3A_123 : vector<16xi32>
    %get3A_125 = arith.constant 528 : index
    %get3A_126 = tpu.vector_load %arg5[%get3A_125] {strides = array<i32>} : memref<2048xi32, #tpu.memory_space<vmem>>, vector<16xi32>,
    %add3A_127 = arith.addi %add3A_121, %get3A_126 : vector<16xi32>
    %get3A_128 = arith.constant 544 : index
    %get3A_129 = tpu.vector_load %arg5[%get3A_128] {strides = array<i32>} : memref<2048xi32, #tpu.memory_space<vmem>>, vector<16xi32>,
    %add3A_130 = arith.addi %add3A_124, %get3A_129 : vector<16xi32>
    %get3A_131 = arith.constant 560 : index
    %get3A_132 = tpu.vector_load %arg5[%get3A_131] {strides = array<i32>} : memref<2048xi32, #tpu.memory_space<vmem>>, vector<16xi32>,
    %add3A_133 = arith.addi %add3A_127, %get3A_132 : vector<16xi32>
    %get3A_134 = arith.constant 576 : index
    %get3A_135 = tpu.vector_load %arg5[%get3A_134] {strides = array<i32>} : memref<2048xi32, #tpu.memory_space<vmem>>, vector<16xi32>,
    %add3A_136 = arith.addi %add3A_130, %get3A_135 : vector<16xi32>
    %get3A_137 = arith.constant 592 : index
    %get3A_138 = tpu.vector_load %arg5[%get3A_137] {strides = array<i32>} : memref<2048xi32, #tpu.memory_space<vmem>>, vector<16xi32>,
    %add3A_139 = arith.addi %add3A_133, %get3A_138 : vector<16xi32>
    %get3A_140 = arith.constant 608 : index
    %get3A_141 = tpu.vector_load %arg5[%get3A_140] {strides = array<i32>} : memref<2048xi32, #tpu.memory_space<vmem>>, vector<16xi32>,
    %add3A_142 = arith.addi %add3A_136, %get3A_141 : vector<16xi32>
    %get3A_143 = arith.constant 624 : index
    %get3A_144 = tpu.vector_load %arg5[%get3A_143] {strides = array<i32>} : memref<2048xi32, #tpu.memory_space<vmem>>, vector<16xi32>,
    %add3A_145 = arith.addi %add3A_139, %get3A_144 : vector<16xi32>
    %get3A_146 = arith.constant 640 : index
    %get3A_147 = tpu.vector_load %arg5[%get3A_146] {strides = array<i32>} : memref<2048xi32, #tpu.memory_space<vmem>>, vector<16xi32>,
    %add3A_148 = arith.addi %add3A_142, %get3A_147 : vector<16xi32>
    %get3A_149 = arith.constant 656 : index
    %get3A_150 = tpu.vector_load %arg5[%get3A_149] {strides = array<i32>} : memref<2048xi32, #tpu.memory_space<vmem>>, vector<16xi32>,
    %add3A_151 = arith.addi %add3A_145, %get3A_150 : vector<16xi32>
    %get3A_152 = arith.constant 672 : index
    %get3A_153 = tpu.vector_load %arg5[%get3A_152] {strides = array<i32>} : memref<2048xi32, #tpu.memory_space<vmem>>, vector<16xi32>,
    %add3A_154 = arith.addi %add3A_148, %get3A_153 : vector<16xi32>
    %get3A_155 = arith.constant 688 : index
    %get3A_156 = tpu.vector_load %arg5[%get3A_155] {strides = array<i32>} : memref<2048xi32, #tpu.memory_space<vmem>>, vector<16xi32>,
    %add3A_157 = arith.addi %add3A_151, %get3A_156 : vector<16xi32>
    %get3A_158 = arith.constant 704 : index
    %get3A_159 = tpu.vector_load %arg5[%get3A_158] {strides = array<i32>} : memref<2048xi32, #tpu.memory_space<vmem>>, vector<16xi32>,
    %add3A_160 = arith.addi %add3A_154, %get3A_159 : vector<16xi32>
    %get3A_161 = arith.constant 720 : index
    %get3A_162 = tpu.vector_load %arg5[%get3A_161] {strides = array<i32>} : memref<2048xi32, #tpu.memory_space<vmem>>, vector<16xi32>,
    %add3A_163 = arith.addi %add3A_157, %get3A_162 : vector<16xi32>
    %get3A_164 = arith.constant 736 : index
    %get3A_165 = tpu.vector_load %arg5[%get3A_164] {strides = array<i32>} : memref<2048xi32, #tpu.memory_space<vmem>>, vector<16xi32>,
    %add3A_166 = arith.addi %add3A_160, %get3A_165 : vector<16xi32>
    %get3A_167 = arith.constant 752 : index
    %get3A_168 = tpu.vector_load %arg5[%get3A_167] {strides = array<i32>} : memref<2048xi32, #tpu.memory_space<vmem>>, vector<16xi32>,
    %add3A_169 = arith.addi %add3A_163, %get3A_168 : vector<16xi32>
    %get3A_170 = arith.constant 768 : index
    %get3A_171 = tpu.vector_load %arg5[%get3A_170] {strides = array<i32>} : memref<2048xi32, #tpu.memory_space<vmem>>, vector<16xi32>,
    %add3A_172 = arith.addi %add3A_166, %get3A_171 : vector<16xi32>
    %get3A_173 = arith.constant 784 : index
    %get3A_174 = tpu.vector_load %arg5[%get3A_173] {strides = array<i32>} : memref<2048xi32, #tpu.memory_space<vmem>>, vector<16xi32>,
    %add3A_175 = arith.addi %add3A_169, %get3A_174 : vector<16xi32>
    %get3A_176 = arith.constant 800 : index
    %get3A_177 = tpu.vector_load %arg5[%get3A_176] {strides = array<i32>} : memref<2048xi32, #tpu.memory_space<vmem>>, vector<16xi32>,
    %add3A_178 = arith.addi %add3A_172, %get3A_177 : vector<16xi32>
    %get3A_179 = arith.constant 816 : index
    %get3A_180 = tpu.vector_load %arg5[%get3A_179] {strides = array<i32>} : memref<2048xi32, #tpu.memory_space<vmem>>, vector<16xi32>,
    %add3A_181 = arith.addi %add3A_175, %get3A_180 : vector<16xi32>
    %get3A_182 = arith.constant 832 : index
    %get3A_183 = tpu.vector_load %arg5[%get3A_182] {strides = array<i32>} : memref<2048xi32, #tpu.memory_space<vmem>>, vector<16xi32>,
    %add3A_184 = arith.addi %add3A_178, %get3A_183 : vector<16xi32>
    %get3A_185 = arith.constant 848 : index
    %get3A_186 = tpu.vector_load %arg5[%get3A_185] {strides = array<i32>} : memref<2048xi32, #tpu.memory_space<vmem>>, vector<16xi32>,
    %add3A_187 = arith.addi %add3A_181, %get3A_186 : vector<16xi32>
    %get3A_188 = arith.constant 864 : index
    %get3A_189 = tpu.vector_load %arg5[%get3A_188] {strides = array<i32>} : memref<2048xi32, #tpu.memory_space<vmem>>, vector<16xi32>,
    %add3A_190 = arith.addi %add3A_184, %get3A_189 : vector<16xi32>
    %get3A_191 = arith.constant 880 : index
    %get3A_192 = tpu.vector_load %arg5[%get3A_191] {strides = array<i32>} : memref<2048xi32, #tpu.memory_space<vmem>>, vector<16xi32>,
    %add3A_193 = arith.addi %add3A_187, %get3A_192 : vector<16xi32>
    %get3A_194 = arith.constant 896 : index
    %get3A_195 = tpu.vector_load %arg5[%get3A_194] {strides = array<i32>} : memref<2048xi32, #tpu.memory_space<vmem>>, vector<16xi32>,
    %add3A_196 = arith.addi %add3A_190, %get3A_195 : vector<16xi32>
    %get3A_197 = arith.constant 912 : index
    %get3A_198 = tpu.vector_load %arg5[%get3A_197] {strides = array<i32>} : memref<2048xi32, #tpu.memory_space<vmem>>, vector<16xi32>,
    %add3A_199 = arith.addi %add3A_193, %get3A_198 : vector<16xi32>
    %get3A_200 = arith.constant 928 : index
    %get3A_201 = tpu.vector_load %arg5[%get3A_200] {strides = array<i32>} : memref<2048xi32, #tpu.memory_space<vmem>>, vector<16xi32>,
    %add3A_202 = arith.addi %add3A_196, %get3A_201 : vector<16xi32>
    %get3A_203 = arith.constant 944 : index
    %get3A_204 = tpu.vector_load %arg5[%get3A_203] {strides = array<i32>} : memref<2048xi32, #tpu.memory_space<vmem>>, vector<16xi32>,
    %add3A_205 = arith.addi %add3A_199, %get3A_204 : vector<16xi32>
    %get3A_206 = arith.constant 960 : index
    %get3A_207 = tpu.vector_load %arg5[%get3A_206] {strides = array<i32>} : memref<2048xi32, #tpu.memory_space<vmem>>, vector<16xi32>,
    %add3A_208 = arith.addi %add3A_202, %get3A_207 : vector<16xi32>
    %get3A_209 = arith.constant 976 : index
    %get3A_210 = tpu.vector_load %arg5[%get3A_209] {strides = array<i32>} : memref<2048xi32, #tpu.memory_space<vmem>>, vector<16xi32>,
    %add3A_211 = arith.addi %add3A_205, %get3A_210 : vector<16xi32>
    %get3A_212 = arith.constant 992 : index
    %get3A_213 = tpu.vector_load %arg5[%get3A_212] {strides = array<i32>} : memref<2048xi32, #tpu.memory_space<vmem>>, vector<16xi32>,
    %add3A_214 = arith.addi %add3A_208, %get3A_213 : vector<16xi32>
    %get3A_215 = arith.constant 1008 : index
    %get3A_216 = tpu.vector_load %arg5[%get3A_215] {strides = array<i32>} : memref<2048xi32, #tpu.memory_space<vmem>>, vector<16xi32>,
    %add3A_217 = arith.addi %add3A_211, %get3A_216 : vector<16xi32>
    %get3A_218 = arith.constant 1024 : index
    %get3A_219 = tpu.vector_load %arg5[%get3A_218] {strides = array<i32>} : memref<2048xi32, #tpu.memory_space<vmem>>, vector<16xi32>,
    %add3A_220 = arith.addi %add3A_214, %get3A_219 : vector<16xi32>
    %get3A_221 = arith.constant 1040 : index
    %get3A_222 = tpu.vector_load %arg5[%get3A_221] {strides = array<i32>} : memref<2048xi32, #tpu.memory_space<vmem>>, vector<16xi32>,
    %add3A_223 = arith.addi %add3A_217, %get3A_222 : vector<16xi32>
    %get3A_224 = arith.constant 1056 : index
    %get3A_225 = tpu.vector_load %arg5[%get3A_224] {strides = array<i32>} : memref<2048xi32, #tpu.memory_space<vmem>>, vector<16xi32>,
    %add3A_226 = arith.addi %add3A_220, %get3A_225 : vector<16xi32>
    %get3A_227 = arith.constant 1072 : index
    %get3A_228 = tpu.vector_load %arg5[%get3A_227] {strides = array<i32>} : memref<2048xi32, #tpu.memory_space<vmem>>, vector<16xi32>,
    %add3A_229 = arith.addi %add3A_223, %get3A_228 : vector<16xi32>
    %get3A_230 = arith.constant 1088 : index
    %get3A_231 = tpu.vector_load %arg5[%get3A_230] {strides = array<i32>} : memref<2048xi32, #tpu.memory_space<vmem>>, vector<16xi32>,
    %add3A_232 = arith.addi %add3A_226, %get3A_231 : vector<16xi32>
    %get3A_233 = arith.constant 1104 : index
    %get3A_234 = tpu.vector_load %arg5[%get3A_233] {strides = array<i32>} : memref<2048xi32, #tpu.memory_space<vmem>>, vector<16xi32>,
    %add3A_235 = arith.addi %add3A_229, %get3A_234 : vector<16xi32>
    %get3A_236 = arith.constant 1120 : index
    %get3A_237 = tpu.vector_load %arg5[%get3A_236] {strides = array<i32>} : memref<2048xi32, #tpu.memory_space<vmem>>, vector<16xi32>,
    %add3A_238 = arith.addi %add3A_232, %get3A_237 : vector<16xi32>
    %get3A_239 = arith.constant 1136 : index
    %get3A_240 = tpu.vector_load %arg5[%get3A_239] {strides = array<i32>} : memref<2048xi32, #tpu.memory_space<vmem>>, vector<16xi32>,
    %add3A_241 = arith.addi %add3A_235, %get3A_240 : vector<16xi32>
    %get3A_242 = arith.constant 1152 : index
    %get3A_243 = tpu.vector_load %arg5[%get3A_242] {strides = array<i32>} : memref<2048xi32, #tpu.memory_space<vmem>>, vector<16xi32>,
    %add3A_244 = arith.addi %add3A_238, %get3A_243 : vector<16xi32>
    %get3A_245 = arith.constant 1168 : index
    %get3A_246 = tpu.vector_load %arg5[%get3A_245] {strides = array<i32>} : memref<2048xi32, #tpu.memory_space<vmem>>, vector<16xi32>,
    %add3A_247 = arith.addi %add3A_241, %get3A_246 : vector<16xi32>
    %get3A_248 = arith.constant 1184 : index
    %get3A_249 = tpu.vector_load %arg5[%get3A_248] {strides = array<i32>} : memref<2048xi32, #tpu.memory_space<vmem>>, vector<16xi32>,
    %add3A_250 = arith.addi %add3A_244, %get3A_249 : vector<16xi32>
    %get3A_251 = arith.constant 1200 : index
    %get3A_252 = tpu.vector_load %arg5[%get3A_251] {strides = array<i32>} : memref<2048xi32, #tpu.memory_space<vmem>>, vector<16xi32>,
    %add3A_253 = arith.addi %add3A_247, %get3A_252 : vector<16xi32>
    %get3A_254 = arith.constant 1216 : index
    %get3A_255 = tpu.vector_load %arg5[%get3A_254] {strides = array<i32>} : memref<2048xi32, #tpu.memory_space<vmem>>, vector<16xi32>,
    %add3A_256 = arith.addi %add3A_250, %get3A_255 : vector<16xi32>
    %get3A_257 = arith.constant 1232 : index
    %get3A_258 = tpu.vector_load %arg5[%get3A_257] {strides = array<i32>} : memref<2048xi32, #tpu.memory_space<vmem>>, vector<16xi32>,
    %add3A_259 = arith.addi %add3A_253, %get3A_258 : vector<16xi32>
    %get3A_260 = arith.constant 1248 : index
    %get3A_261 = tpu.vector_load %arg5[%get3A_260] {strides = array<i32>} : memref<2048xi32, #tpu.memory_space<vmem>>, vector<16xi32>,
    %add3A_262 = arith.addi %add3A_256, %get3A_261 : vector<16xi32>
    %get3A_263 = arith.constant 1264 : index
    %get3A_264 = tpu.vector_load %arg5[%get3A_263] {strides = array<i32>} : memref<2048xi32, #tpu.memory_space<vmem>>, vector<16xi32>,
    %add3A_265 = arith.addi %add3A_259, %get3A_264 : vector<16xi32>
    %get3A_266 = arith.constant 1280 : index
    %get3A_267 = tpu.vector_load %arg5[%get3A_266] {strides = array<i32>} : memref<2048xi32, #tpu.memory_space<vmem>>, vector<16xi32>,
    %add3A_268 = arith.addi %add3A_262, %get3A_267 : vector<16xi32>
    %get3A_269 = arith.constant 1296 : index
    %get3A_270 = tpu.vector_load %arg5[%get3A_269] {strides = array<i32>} : memref<2048xi32, #tpu.memory_space<vmem>>, vector<16xi32>,
    %add3A_271 = arith.addi %add3A_265, %get3A_270 : vector<16xi32>
    %get3A_272 = arith.constant 1312 : index
    %get3A_273 = tpu.vector_load %arg5[%get3A_272] {strides = array<i32>} : memref<2048xi32, #tpu.memory_space<vmem>>, vector<16xi32>,
    %add3A_274 = arith.addi %add3A_268, %get3A_273 : vector<16xi32>
    %get3A_275 = arith.constant 1328 : index
    %get3A_276 = tpu.vector_load %arg5[%get3A_275] {strides = array<i32>} : memref<2048xi32, #tpu.memory_space<vmem>>, vector<16xi32>,
    %add3A_277 = arith.addi %add3A_271, %get3A_276 : vector<16xi32>
    %get3A_278 = arith.constant 1344 : index
    %get3A_279 = tpu.vector_load %arg5[%get3A_278] {strides = array<i32>} : memref<2048xi32, #tpu.memory_space<vmem>>, vector<16xi32>,
    %add3A_280 = arith.addi %add3A_274, %get3A_279 : vector<16xi32>
    %get3A_281 = arith.constant 1360 : index
    %get3A_282 = tpu.vector_load %arg5[%get3A_281] {strides = array<i32>} : memref<2048xi32, #tpu.memory_space<vmem>>, vector<16xi32>,
    %add3A_283 = arith.addi %add3A_277, %get3A_282 : vector<16xi32>
    %get3A_284 = arith.constant 1376 : index
    %get3A_285 = tpu.vector_load %arg5[%get3A_284] {strides = array<i32>} : memref<2048xi32, #tpu.memory_space<vmem>>, vector<16xi32>,
    %add3A_286 = arith.addi %add3A_280, %get3A_285 : vector<16xi32>
    %get3A_287 = arith.constant 1392 : index
    %get3A_288 = tpu.vector_load %arg5[%get3A_287] {strides = array<i32>} : memref<2048xi32, #tpu.memory_space<vmem>>, vector<16xi32>,
    %add3A_289 = arith.addi %add3A_283, %get3A_288 : vector<16xi32>
    %get3A_290 = arith.constant 1408 : index
    %get3A_291 = tpu.vector_load %arg5[%get3A_290] {strides = array<i32>} : memref<2048xi32, #tpu.memory_space<vmem>>, vector<16xi32>,
    %add3A_292 = arith.addi %add3A_286, %get3A_291 : vector<16xi32>
    %get3A_293 = arith.constant 1424 : index
    %get3A_294 = tpu.vector_load %arg5[%get3A_293] {strides = array<i32>} : memref<2048xi32, #tpu.memory_space<vmem>>, vector<16xi32>,
    %add3A_295 = arith.addi %add3A_289, %get3A_294 : vector<16xi32>
    %get3A_296 = arith.constant 1440 : index
    %get3A_297 = tpu.vector_load %arg5[%get3A_296] {strides = array<i32>} : memref<2048xi32, #tpu.memory_space<vmem>>, vector<16xi32>,
    %add3A_298 = arith.addi %add3A_292, %get3A_297 : vector<16xi32>
    %get3A_299 = arith.constant 1456 : index
    %get3A_300 = tpu.vector_load %arg5[%get3A_299] {strides = array<i32>} : memref<2048xi32, #tpu.memory_space<vmem>>, vector<16xi32>,
    %add3A_301 = arith.addi %add3A_295, %get3A_300 : vector<16xi32>
    %get3A_302 = arith.constant 1472 : index
    %get3A_303 = tpu.vector_load %arg5[%get3A_302] {strides = array<i32>} : memref<2048xi32, #tpu.memory_space<vmem>>, vector<16xi32>,
    %add3A_304 = arith.addi %add3A_298, %get3A_303 : vector<16xi32>
    %get3A_305 = arith.constant 1488 : index
    %get3A_306 = tpu.vector_load %arg5[%get3A_305] {strides = array<i32>} : memref<2048xi32, #tpu.memory_space<vmem>>, vector<16xi32>,
    %add3A_307 = arith.addi %add3A_301, %get3A_306 : vector<16xi32>
    %get3A_308 = arith.constant 1504 : index
    %get3A_309 = tpu.vector_load %arg5[%get3A_308] {strides = array<i32>} : memref<2048xi32, #tpu.memory_space<vmem>>, vector<16xi32>,
    %add3A_310 = arith.addi %add3A_304, %get3A_309 : vector<16xi32>
    %get3A_311 = arith.constant 1520 : index
    %get3A_312 = tpu.vector_load %arg5[%get3A_311] {strides = array<i32>} : memref<2048xi32, #tpu.memory_space<vmem>>, vector<16xi32>,
    %add3A_313 = arith.addi %add3A_307, %get3A_312 : vector<16xi32>
    %get3A_314 = arith.constant 1536 : index
    %get3A_315 = tpu.vector_load %arg5[%get3A_314] {strides = array<i32>} : memref<2048xi32, #tpu.memory_space<vmem>>, vector<16xi32>,
    %add3A_316 = arith.addi %add3A_310, %get3A_315 : vector<16xi32>
    %get3A_317 = arith.constant 1552 : index
    %get3A_318 = tpu.vector_load %arg5[%get3A_317] {strides = array<i32>} : memref<2048xi32, #tpu.memory_space<vmem>>, vector<16xi32>,
    %add3A_319 = arith.addi %add3A_313, %get3A_318 : vector<16xi32>
    %get3A_320 = arith.constant 1568 : index
    %get3A_321 = tpu.vector_load %arg5[%get3A_320] {strides = array<i32>} : memref<2048xi32, #tpu.memory_space<vmem>>, vector<16xi32>,
    %add3A_322 = arith.addi %add3A_316, %get3A_321 : vector<16xi32>
    %get3A_323 = arith.constant 1584 : index
    %get3A_324 = tpu.vector_load %arg5[%get3A_323] {strides = array<i32>} : memref<2048xi32, #tpu.memory_space<vmem>>, vector<16xi32>,
    %add3A_325 = arith.addi %add3A_319, %get3A_324 : vector<16xi32>
    %get3A_326 = arith.constant 1600 : index
    %get3A_327 = tpu.vector_load %arg5[%get3A_326] {strides = array<i32>} : memref<2048xi32, #tpu.memory_space<vmem>>, vector<16xi32>,
    %add3A_328 = arith.addi %add3A_322, %get3A_327 : vector<16xi32>
    %get3A_329 = arith.constant 1616 : index
    %get3A_330 = tpu.vector_load %arg5[%get3A_329] {strides = array<i32>} : memref<2048xi32, #tpu.memory_space<vmem>>, vector<16xi32>,
    %add3A_331 = arith.addi %add3A_325, %get3A_330 : vector<16xi32>
    %get3A_332 = arith.constant 1632 : index
    %get3A_333 = tpu.vector_load %arg5[%get3A_332] {strides = array<i32>} : memref<2048xi32, #tpu.memory_space<vmem>>, vector<16xi32>,
    %add3A_334 = arith.addi %add3A_328, %get3A_333 : vector<16xi32>
    %get3A_335 = arith.constant 1648 : index
    %get3A_336 = tpu.vector_load %arg5[%get3A_335] {strides = array<i32>} : memref<2048xi32, #tpu.memory_space<vmem>>, vector<16xi32>,
    %add3A_337 = arith.addi %add3A_331, %get3A_336 : vector<16xi32>
    %get3A_338 = arith.constant 1664 : index
    %get3A_339 = tpu.vector_load %arg5[%get3A_338] {strides = array<i32>} : memref<2048xi32, #tpu.memory_space<vmem>>, vector<16xi32>,
    %add3A_340 = arith.addi %add3A_334, %get3A_339 : vector<16xi32>
    %get3A_341 = arith.constant 1680 : index
    %get3A_342 = tpu.vector_load %arg5[%get3A_341] {strides = array<i32>} : memref<2048xi32, #tpu.memory_space<vmem>>, vector<16xi32>,
    %add3A_343 = arith.addi %add3A_337, %get3A_342 : vector<16xi32>
    %get3A_344 = arith.constant 1696 : index
    %get3A_345 = tpu.vector_load %arg5[%get3A_344] {strides = array<i32>} : memref<2048xi32, #tpu.memory_space<vmem>>, vector<16xi32>,
    %add3A_346 = arith.addi %add3A_340, %get3A_345 : vector<16xi32>
    %get3A_347 = arith.constant 1712 : index
    %get3A_348 = tpu.vector_load %arg5[%get3A_347] {strides = array<i32>} : memref<2048xi32, #tpu.memory_space<vmem>>, vector<16xi32>,
    %add3A_349 = arith.addi %add3A_343, %get3A_348 : vector<16xi32>
    %get3A_350 = arith.constant 1728 : index
    %get3A_351 = tpu.vector_load %arg5[%get3A_350] {strides = array<i32>} : memref<2048xi32, #tpu.memory_space<vmem>>, vector<16xi32>,
    %add3A_352 = arith.addi %add3A_346, %get3A_351 : vector<16xi32>
    %get3A_353 = arith.constant 1744 : index
    %get3A_354 = tpu.vector_load %arg5[%get3A_353] {strides = array<i32>} : memref<2048xi32, #tpu.memory_space<vmem>>, vector<16xi32>,
    %add3A_355 = arith.addi %add3A_349, %get3A_354 : vector<16xi32>
    %get3A_356 = arith.constant 1760 : index
    %get3A_357 = tpu.vector_load %arg5[%get3A_356] {strides = array<i32>} : memref<2048xi32, #tpu.memory_space<vmem>>, vector<16xi32>,
    %add3A_358 = arith.addi %add3A_352, %get3A_357 : vector<16xi32>
    %get3A_359 = arith.constant 1776 : index
    %get3A_360 = tpu.vector_load %arg5[%get3A_359] {strides = array<i32>} : memref<2048xi32, #tpu.memory_space<vmem>>, vector<16xi32>,
    %add3A_361 = arith.addi %add3A_355, %get3A_360 : vector<16xi32>
    %get3A_362 = arith.constant 1792 : index
    %get3A_363 = tpu.vector_load %arg5[%get3A_362] {strides = array<i32>} : memref<2048xi32, #tpu.memory_space<vmem>>, vector<16xi32>,
    %add3A_364 = arith.addi %add3A_358, %get3A_363 : vector<16xi32>
    %get3A_365 = arith.constant 1808 : index
    %get3A_366 = tpu.vector_load %arg5[%get3A_365] {strides = array<i32>} : memref<2048xi32, #tpu.memory_space<vmem>>, vector<16xi32>,
    %add3A_367 = arith.addi %add3A_361, %get3A_366 : vector<16xi32>
    %get3A_368 = arith.constant 1824 : index
    %get3A_369 = tpu.vector_load %arg5[%get3A_368] {strides = array<i32>} : memref<2048xi32, #tpu.memory_space<vmem>>, vector<16xi32>,
    %add3A_370 = arith.addi %add3A_364, %get3A_369 : vector<16xi32>
    %get3A_371 = arith.constant 1840 : index
    %get3A_372 = tpu.vector_load %arg5[%get3A_371] {strides = array<i32>} : memref<2048xi32, #tpu.memory_space<vmem>>, vector<16xi32>,
    %add3A_373 = arith.addi %add3A_367, %get3A_372 : vector<16xi32>
    %get3A_374 = arith.constant 1856 : index
    %get3A_375 = tpu.vector_load %arg5[%get3A_374] {strides = array<i32>} : memref<2048xi32, #tpu.memory_space<vmem>>, vector<16xi32>,
    %add3A_376 = arith.addi %add3A_370, %get3A_375 : vector<16xi32>
    %get3A_377 = arith.constant 1872 : index
    %get3A_378 = tpu.vector_load %arg5[%get3A_377] {strides = array<i32>} : memref<2048xi32, #tpu.memory_space<vmem>>, vector<16xi32>,
    %add3A_379 = arith.addi %add3A_373, %get3A_378 : vector<16xi32>
    %get3A_380 = arith.constant 1888 : index
    %get3A_381 = tpu.vector_load %arg5[%get3A_380] {strides = array<i32>} : memref<2048xi32, #tpu.memory_space<vmem>>, vector<16xi32>,
    %add3A_382 = arith.addi %add3A_376, %get3A_381 : vector<16xi32>
    %get3A_383 = arith.constant 1904 : index
    %get3A_384 = tpu.vector_load %arg5[%get3A_383] {strides = array<i32>} : memref<2048xi32, #tpu.memory_space<vmem>>, vector<16xi32>,
    %add3A_385 = arith.addi %add3A_379, %get3A_384 : vector<16xi32>
    %get3A_386 = arith.constant 1920 : index
    %get3A_387 = tpu.vector_load %arg5[%get3A_386] {strides = array<i32>} : memref<2048xi32, #tpu.memory_space<vmem>>, vector<16xi32>,
    %add3A_388 = arith.addi %add3A_382, %get3A_387 : vector<16xi32>
    %get3A_389 = arith.constant 1936 : index
    %get3A_390 = tpu.vector_load %arg5[%get3A_389] {strides = array<i32>} : memref<2048xi32, #tpu.memory_space<vmem>>, vector<16xi32>,
    %add3A_391 = arith.addi %add3A_385, %get3A_390 : vector<16xi32>
    %get3A_392 = arith.constant 1952 : index
    %get3A_393 = tpu.vector_load %arg5[%get3A_392] {strides = array<i32>} : memref<2048xi32, #tpu.memory_space<vmem>>, vector<16xi32>,
    %add3A_394 = arith.addi %add3A_388, %get3A_393 : vector<16xi32>
    %get3A_395 = arith.constant 1968 : index
    %get3A_396 = tpu.vector_load %arg5[%get3A_395] {strides = array<i32>} : memref<2048xi32, #tpu.memory_space<vmem>>, vector<16xi32>,
    %add3A_397 = arith.addi %add3A_391, %get3A_396 : vector<16xi32>
    %get3A_398 = arith.constant 1984 : index
    %get3A_399 = tpu.vector_load %arg5[%get3A_398] {strides = array<i32>} : memref<2048xi32, #tpu.memory_space<vmem>>, vector<16xi32>,
    %add3A_400 = arith.addi %add3A_394, %get3A_399 : vector<16xi32>
    %get3A_401 = arith.constant 2000 : index
    %get3A_402 = tpu.vector_load %arg5[%get3A_401] {strides = array<i32>} : memref<2048xi32, #tpu.memory_space<vmem>>, vector<16xi32>,
    %add3A_403 = arith.addi %add3A_397, %get3A_402 : vector<16xi32>
    %get3A_404 = arith.constant 2016 : index
    %get3A_405 = tpu.vector_load %arg5[%get3A_404] {strides = array<i32>} : memref<2048xi32, #tpu.memory_space<vmem>>, vector<16xi32>,
    %add3A_406 = arith.addi %add3A_400, %get3A_405 : vector<16xi32>
    %get3A_407 = arith.constant 2032 : index
    %get3A_408 = tpu.vector_load %arg5[%get3A_407] {strides = array<i32>} : memref<2048xi32, #tpu.memory_space<vmem>>, vector<16xi32>,
    %add3A_409 = arith.addi %add3A_403, %get3A_408 : vector<16xi32>
    %add3A_410 = arith.addi %add3A_406, %add3A_409 : vector<16xi32>
    %iota3A = tpu.iota {dimensions = array<i32: 0>} : vector<16xi32>
    %swap3A = arith.constant 0 : index
    %swap3A_411 = tpu.vector_load %arg6[%swap3A] {strides = array<i32>} : memref<16xi32, #tpu.memory_space<vmem>>, vector<16xi32>,
    tpu.vector_store %arg6[%swap3A], %add3A_410 {strides = array<i32>} : memref<16xi32, #tpu.memory_space<vmem>>, vector<16xi32>,
    %xor3A = arith.constant 1 : i32
    %xor3A_412 = vector.broadcast %xor3A : i32 to vector<16xi32>
    %xor3A_413 = arith.xori %iota3A, %xor3A_412 : vector<16xi32>
    %gather3A = tpu.vector_load_idx %arg6[%xor3A_413] : memref<16xi32, #tpu.memory_space<vmem>>[vector<16xi32>], vector<16xi32>,
    %add3A_414 = arith.addi %add3A_410, %gather3A : vector<16xi32>
    %swap3A_415 = arith.constant 0 : index
    %swap3A_416 = tpu.vector_load %arg6[%swap3A_415] {strides = array<i32>} : memref<16xi32, #tpu.memory_space<vmem>>, vector<16xi32>,
    tpu.vector_store %arg6[%swap3A_415], %add3A_414 {strides = array<i32>} : memref<16xi32, #tpu.memory_space<vmem>>, vector<16xi32>,
    %xor3A_417 = arith.constant 2 : i32
    %xor3A_418 = vector.broadcast %xor3A_417 : i32 to vector<16xi32>
    %xor3A_419 = arith.xori %iota3A, %xor3A_418 : vector<16xi32>
    %gather3A_420 = tpu.vector_load_idx %arg6[%xor3A_419] : memref<16xi32, #tpu.memory_space<vmem>>[vector<16xi32>], vector<16xi32>,
    %add3A_421 = arith.addi %add3A_414, %gather3A_420 : vector<16xi32>
    %swap3A_422 = arith.constant 0 : index
    %swap3A_423 = tpu.vector_load %arg6[%swap3A_422] {strides = array<i32>} : memref<16xi32, #tpu.memory_space<vmem>>, vector<16xi32>,
    tpu.vector_store %arg6[%swap3A_422], %add3A_421 {strides = array<i32>} : memref<16xi32, #tpu.memory_space<vmem>>, vector<16xi32>,
    %xor3A_424 = arith.constant 4 : i32
    %xor3A_425 = vector.broadcast %xor3A_424 : i32 to vector<16xi32>
    %xor3A_426 = arith.xori %iota3A, %xor3A_425 : vector<16xi32>
    %gather3A_427 = tpu.vector_load_idx %arg6[%xor3A_426] : memref<16xi32, #tpu.memory_space<vmem>>[vector<16xi32>], vector<16xi32>,
    %add3A_428 = arith.addi %add3A_421, %gather3A_427 : vector<16xi32>
    %swap3A_429 = arith.constant 0 : index
    %swap3A_430 = tpu.vector_load %arg6[%swap3A_429] {strides = array<i32>} : memref<16xi32, #tpu.memory_space<vmem>>, vector<16xi32>,
    tpu.vector_store %arg6[%swap3A_429], %add3A_428 {strides = array<i32>} : memref<16xi32, #tpu.memory_space<vmem>>, vector<16xi32>,
    %xor3A_431 = arith.constant 8 : i32
    %xor3A_432 = vector.broadcast %xor3A_431 : i32 to vector<16xi32>
    %xor3A_433 = arith.xori %iota3A, %xor3A_432 : vector<16xi32>
    %gather3A_434 = tpu.vector_load_idx %arg6[%xor3A_433] : memref<16xi32, #tpu.memory_space<vmem>>[vector<16xi32>], vector<16xi32>,
    %add3A_435 = arith.addi %add3A_428, %gather3A_434 : vector<16xi32>
    %swap3A_436 = arith.constant 0 : index
    %swap3A_437 = tpu.vector_load %arg6[%swap3A_436] {strides = array<i32>} : memref<16xi32, #tpu.memory_space<vmem>>, vector<16xi32>,
    tpu.vector_store %arg6[%swap3A_436], %add3A_435 {strides = array<i32>} : memref<16xi32, #tpu.memory_space<vmem>>, vector<16xi32>,
    %mul3A_438 = arith.constant 16 : i32
    %mul3A_439 = arith.muli %arg1, %mul3A_438 : i32
    "tpu.region"() ({
      %run_scoped3A = tpu.sem_alloc : memref<!tpu.dma_semaphore, #tpu.memory_space<semaphore_mem>>
      %dma_start3A_475 = tpu.memref_slice %arg11[%mul3A_439] : memref<352xi32, #tpu.memory_space<vmem_shared>> -> memref<16xi32, #tpu.memory_space<vmem_shared>>
      %dma_start3A_476 = tpu.memref_slice %arg11[%mul3A_439] : memref<352xi32, #tpu.memory_space<vmem_shared>> -> memref<16xi32, #tpu.memory_space<vmem_shared>>
      tpu.enqueue_dma source(%arg6 : memref<16xi32, #tpu.memory_space<vmem>>) target(%dma_start3A_476 : memref<16xi32, #tpu.memory_space<vmem_shared>>) target_semaphore(%run_scoped3A : memref<!tpu.dma_semaphore, #tpu.memory_space<semaphore_mem>>)
      %dma_wait3A_477 = tpu.memref_slice %arg11[%mul3A_439] : memref<352xi32, #tpu.memory_space<vmem_shared>> -> memref<16xi32, #tpu.memory_space<vmem_shared>>
      %dma_wait3A_478 = tpu.memref_slice %arg11[%mul3A_439] : memref<352xi32, #tpu.memory_space<vmem_shared>> -> memref<16xi32, #tpu.memory_space<vmem_shared>>
      tpu.wait_dma2 semaphore(%run_scoped3A : memref<!tpu.dma_semaphore, #tpu.memory_space<semaphore_mem>>) src(%arg6 : memref<16xi32, #tpu.memory_space<vmem>>) dst(%dma_wait3A_478 : memref<16xi32, #tpu.memory_space<vmem_shared>>)
      tpu.yield
    }) : () -> ()
    %eq3A_440 = arith.constant 10 : i32
    %eq3A_441 = arith.cmpi eq, %arg1, %eq3A_440 : i32
    %convert_element_type3A_442 = arith.extui %eq3A_441 : i1 to i32
    %cond3A_443 = arith.constant 0 : i32
    %cond3A_444 = arith.cmpi ne, %convert_element_type3A_442, %cond3A_443 : i32
    scf.if %cond3A_444 {
      %dma_wait3A_475 = arith.constant 256 : i32
      %dma_wait3A_476 = tpu.memref_slice %arg11[%dma_wait3A_475] : memref<352xi32, #tpu.memory_space<vmem_shared>> -> memref<16xi32, #tpu.memory_space<vmem_shared>>
      %dma_wait3A_477 = arith.constant 256 : i32
      %dma_wait3A_478 = tpu.memref_slice %arg11[%dma_wait3A_477] : memref<352xi32, #tpu.memory_space<vmem_shared>> -> memref<16xi32, #tpu.memory_space<vmem_shared>>
      tpu.wait_dma2 semaphore(%arg13 : memref<!tpu.dma_semaphore, #tpu.memory_space<semaphore_mem>>) src(%arg7 : memref<16xi32, #tpu.memory_space<vmem>>) dst(%dma_wait3A_478 : memref<16xi32, #tpu.memory_space<vmem_shared>>)
    } else {
    }
    %eq3A_445 = arith.constant 11 : i32
    %eq3A_446 = arith.cmpi eq, %arg1, %eq3A_445 : i32
    %convert_element_type3A_447 = arith.extui %eq3A_446 : i1 to i32
    %cond3A_448 = arith.constant 0 : i32
    %cond3A_449 = arith.cmpi ne, %convert_element_type3A_447, %cond3A_448 : i32
    scf.if %cond3A_449 {
      %dma_wait3A_475 = arith.constant 272 : i32
      %dma_wait3A_476 = tpu.memref_slice %arg11[%dma_wait3A_475] : memref<352xi32, #tpu.memory_space<vmem_shared>> -> memref<16xi32, #tpu.memory_space<vmem_shared>>
      %dma_wait3A_477 = arith.constant 272 : i32
      %dma_wait3A_478 = tpu.memref_slice %arg11[%dma_wait3A_477] : memref<352xi32, #tpu.memory_space<vmem_shared>> -> memref<16xi32, #tpu.memory_space<vmem_shared>>
      tpu.wait_dma2 semaphore(%arg13 : memref<!tpu.dma_semaphore, #tpu.memory_space<semaphore_mem>>) src(%arg7 : memref<16xi32, #tpu.memory_space<vmem>>) dst(%dma_wait3A_478 : memref<16xi32, #tpu.memory_space<vmem_shared>>)
    } else {
    }
    %eq3A_450 = arith.constant 12 : i32
    %eq3A_451 = arith.cmpi eq, %arg1, %eq3A_450 : i32
    %convert_element_type3A_452 = arith.extui %eq3A_451 : i1 to i32
    %cond3A_453 = arith.constant 0 : i32
    %cond3A_454 = arith.cmpi ne, %convert_element_type3A_452, %cond3A_453 : i32
    scf.if %cond3A_454 {
      %dma_wait3A_475 = arith.constant 288 : i32
      %dma_wait3A_476 = tpu.memref_slice %arg11[%dma_wait3A_475] : memref<352xi32, #tpu.memory_space<vmem_shared>> -> memref<16xi32, #tpu.memory_space<vmem_shared>>
      %dma_wait3A_477 = arith.constant 288 : i32
      %dma_wait3A_478 = tpu.memref_slice %arg11[%dma_wait3A_477] : memref<352xi32, #tpu.memory_space<vmem_shared>> -> memref<16xi32, #tpu.memory_space<vmem_shared>>
      tpu.wait_dma2 semaphore(%arg13 : memref<!tpu.dma_semaphore, #tpu.memory_space<semaphore_mem>>) src(%arg7 : memref<16xi32, #tpu.memory_space<vmem>>) dst(%dma_wait3A_478 : memref<16xi32, #tpu.memory_space<vmem_shared>>)
    } else {
    }
    %eq3A_455 = arith.constant 13 : i32
    %eq3A_456 = arith.cmpi eq, %arg1, %eq3A_455 : i32
    %convert_element_type3A_457 = arith.extui %eq3A_456 : i1 to i32
    %cond3A_458 = arith.constant 0 : i32
    %cond3A_459 = arith.cmpi ne, %convert_element_type3A_457, %cond3A_458 : i32
    scf.if %cond3A_459 {
      %dma_wait3A_475 = arith.constant 304 : i32
      %dma_wait3A_476 = tpu.memref_slice %arg11[%dma_wait3A_475] : memref<352xi32, #tpu.memory_space<vmem_shared>> -> memref<16xi32, #tpu.memory_space<vmem_shared>>
      %dma_wait3A_477 = arith.constant 304 : i32
      %dma_wait3A_478 = tpu.memref_slice %arg11[%dma_wait3A_477] : memref<352xi32, #tpu.memory_space<vmem_shared>> -> memref<16xi32, #tpu.memory_space<vmem_shared>>
      tpu.wait_dma2 semaphore(%arg13 : memref<!tpu.dma_semaphore, #tpu.memory_space<semaphore_mem>>) src(%arg7 : memref<16xi32, #tpu.memory_space<vmem>>) dst(%dma_wait3A_478 : memref<16xi32, #tpu.memory_space<vmem_shared>>)
    } else {
    }
    %eq3A_460 = arith.constant 14 : i32
    %eq3A_461 = arith.cmpi eq, %arg1, %eq3A_460 : i32
    %convert_element_type3A_462 = arith.extui %eq3A_461 : i1 to i32
    %cond3A_463 = arith.constant 0 : i32
    %cond3A_464 = arith.cmpi ne, %convert_element_type3A_462, %cond3A_463 : i32
    scf.if %cond3A_464 {
      %dma_wait3A_475 = arith.constant 320 : i32
      %dma_wait3A_476 = tpu.memref_slice %arg11[%dma_wait3A_475] : memref<352xi32, #tpu.memory_space<vmem_shared>> -> memref<16xi32, #tpu.memory_space<vmem_shared>>
      %dma_wait3A_477 = arith.constant 320 : i32
      %dma_wait3A_478 = tpu.memref_slice %arg11[%dma_wait3A_477] : memref<352xi32, #tpu.memory_space<vmem_shared>> -> memref<16xi32, #tpu.memory_space<vmem_shared>>
      tpu.wait_dma2 semaphore(%arg13 : memref<!tpu.dma_semaphore, #tpu.memory_space<semaphore_mem>>) src(%arg7 : memref<16xi32, #tpu.memory_space<vmem>>) dst(%dma_wait3A_478 : memref<16xi32, #tpu.memory_space<vmem_shared>>)
    } else {
    }
    %eq3A_465 = arith.constant 15 : i32
    %eq3A_466 = arith.cmpi eq, %arg1, %eq3A_465 : i32
    %convert_element_type3A_467 = arith.extui %eq3A_466 : i1 to i32
    %cond3A_468 = arith.constant 0 : i32
    %cond3A_469 = arith.cmpi ne, %convert_element_type3A_467, %cond3A_468 : i32
    scf.if %cond3A_469 {
      %dma_wait3A_475 = arith.constant 336 : i32
      %dma_wait3A_476 = tpu.memref_slice %arg11[%dma_wait3A_475] : memref<352xi32, #tpu.memory_space<vmem_shared>> -> memref<16xi32, #tpu.memory_space<vmem_shared>>
      %dma_wait3A_477 = arith.constant 336 : i32
      %dma_wait3A_478 = tpu.memref_slice %arg11[%dma_wait3A_477] : memref<352xi32, #tpu.memory_space<vmem_shared>> -> memref<16xi32, #tpu.memory_space<vmem_shared>>
      tpu.wait_dma2 semaphore(%arg13 : memref<!tpu.dma_semaphore, #tpu.memory_space<semaphore_mem>>) src(%arg7 : memref<16xi32, #tpu.memory_space<vmem>>) dst(%dma_wait3A_478 : memref<16xi32, #tpu.memory_space<vmem_shared>>)
    } else {
    }
    %barrier3A = arith.constant 0 : index
    tpu.barrier barrier_id(%barrier3A)
    %eq3A_470 = arith.constant 0 : i32
    %eq3A_471 = arith.cmpi eq, %arg1, %eq3A_470 : i32
    %convert_element_type3A_472 = arith.extui %eq3A_471 : i1 to i32
    %cond3A_473 = arith.constant 0 : i32
    %cond3A_474 = arith.cmpi ne, %convert_element_type3A_472, %cond3A_473 : i32
    scf.if %cond3A_474 {
      "tpu.region"() ({
        %run_scoped3A = tpu.sem_alloc : memref<!tpu.dma_semaphore, #tpu.memory_space<semaphore_mem>>
        tpu.enqueue_dma source(%arg11 : memref<352xi32, #tpu.memory_space<vmem_shared>>) target(%arg8 : memref<352xi32, #tpu.memory_space<vmem>>) target_semaphore(%run_scoped3A : memref<!tpu.dma_semaphore, #tpu.memory_space<semaphore_mem>>)
        tpu.wait_dma2 semaphore(%run_scoped3A : memref<!tpu.dma_semaphore, #tpu.memory_space<semaphore_mem>>) src(%arg11 : memref<352xi32, #tpu.memory_space<vmem_shared>>) dst(%arg8 : memref<352xi32, #tpu.memory_space<vmem>>)
        tpu.yield
      }) : () -> ()
      %get3A_475 = arith.constant 0 : index
      %get3A_476 = tpu.vector_load %arg8[%get3A_475] {strides = array<i32>} : memref<352xi32, #tpu.memory_space<vmem>>, vector<16xi32>,
      %get3A_477 = arith.constant 16 : index
      %get3A_478 = tpu.vector_load %arg8[%get3A_477] {strides = array<i32>} : memref<352xi32, #tpu.memory_space<vmem>>, vector<16xi32>,
      %get3A_479 = arith.constant 32 : index
      %get3A_480 = tpu.vector_load %arg8[%get3A_479] {strides = array<i32>} : memref<352xi32, #tpu.memory_space<vmem>>, vector<16xi32>,
      %add3A_481 = arith.addi %get3A_476, %get3A_480 : vector<16xi32>
      %get3A_482 = arith.constant 48 : index
      %get3A_483 = tpu.vector_load %arg8[%get3A_482] {strides = array<i32>} : memref<352xi32, #tpu.memory_space<vmem>>, vector<16xi32>,
      %add3A_484 = arith.addi %get3A_478, %get3A_483 : vector<16xi32>
      %get3A_485 = arith.constant 64 : index
      %get3A_486 = tpu.vector_load %arg8[%get3A_485] {strides = array<i32>} : memref<352xi32, #tpu.memory_space<vmem>>, vector<16xi32>,
      %add3A_487 = arith.addi %add3A_481, %get3A_486 : vector<16xi32>
      %get3A_488 = arith.constant 80 : index
      %get3A_489 = tpu.vector_load %arg8[%get3A_488] {strides = array<i32>} : memref<352xi32, #tpu.memory_space<vmem>>, vector<16xi32>,
      %add3A_490 = arith.addi %add3A_484, %get3A_489 : vector<16xi32>
      %get3A_491 = arith.constant 96 : index
      %get3A_492 = tpu.vector_load %arg8[%get3A_491] {strides = array<i32>} : memref<352xi32, #tpu.memory_space<vmem>>, vector<16xi32>,
      %add3A_493 = arith.addi %add3A_487, %get3A_492 : vector<16xi32>
      %get3A_494 = arith.constant 112 : index
      %get3A_495 = tpu.vector_load %arg8[%get3A_494] {strides = array<i32>} : memref<352xi32, #tpu.memory_space<vmem>>, vector<16xi32>,
      %add3A_496 = arith.addi %add3A_490, %get3A_495 : vector<16xi32>
      %get3A_497 = arith.constant 128 : index
      %get3A_498 = tpu.vector_load %arg8[%get3A_497] {strides = array<i32>} : memref<352xi32, #tpu.memory_space<vmem>>, vector<16xi32>,
      %add3A_499 = arith.addi %add3A_493, %get3A_498 : vector<16xi32>
      %get3A_500 = arith.constant 144 : index
      %get3A_501 = tpu.vector_load %arg8[%get3A_500] {strides = array<i32>} : memref<352xi32, #tpu.memory_space<vmem>>, vector<16xi32>,
      %add3A_502 = arith.addi %add3A_496, %get3A_501 : vector<16xi32>
      %get3A_503 = arith.constant 160 : index
      %get3A_504 = tpu.vector_load %arg8[%get3A_503] {strides = array<i32>} : memref<352xi32, #tpu.memory_space<vmem>>, vector<16xi32>,
      %add3A_505 = arith.addi %add3A_499, %get3A_504 : vector<16xi32>
      %get3A_506 = arith.constant 176 : index
      %get3A_507 = tpu.vector_load %arg8[%get3A_506] {strides = array<i32>} : memref<352xi32, #tpu.memory_space<vmem>>, vector<16xi32>,
      %add3A_508 = arith.addi %add3A_502, %get3A_507 : vector<16xi32>
      %get3A_509 = arith.constant 192 : index
      %get3A_510 = tpu.vector_load %arg8[%get3A_509] {strides = array<i32>} : memref<352xi32, #tpu.memory_space<vmem>>, vector<16xi32>,
      %add3A_511 = arith.addi %add3A_505, %get3A_510 : vector<16xi32>
      %get3A_512 = arith.constant 208 : index
      %get3A_513 = tpu.vector_load %arg8[%get3A_512] {strides = array<i32>} : memref<352xi32, #tpu.memory_space<vmem>>, vector<16xi32>,
      %add3A_514 = arith.addi %add3A_508, %get3A_513 : vector<16xi32>
      %get3A_515 = arith.constant 224 : index
      %get3A_516 = tpu.vector_load %arg8[%get3A_515] {strides = array<i32>} : memref<352xi32, #tpu.memory_space<vmem>>, vector<16xi32>,
      %add3A_517 = arith.addi %add3A_511, %get3A_516 : vector<16xi32>
      %get3A_518 = arith.constant 240 : index
      %get3A_519 = tpu.vector_load %arg8[%get3A_518] {strides = array<i32>} : memref<352xi32, #tpu.memory_space<vmem>>, vector<16xi32>,
      %add3A_520 = arith.addi %add3A_514, %get3A_519 : vector<16xi32>
      %add3A_521 = arith.addi %add3A_517, %add3A_520 : vector<16xi32>
      %convert_element_type3A_522 = arith.sitofp %add3A_521 : vector<16xi32> to vector<16xf32>
      %get3A_523 = arith.constant 256 : index
      %get3A_524 = tpu.vector_load %arg8[%get3A_523] {strides = array<i32>} : memref<352xi32, #tpu.memory_space<vmem>>, vector<16xi32>,
      %bitcast3A = vector.bitcast %get3A_524 : vector<16xi32> to vector<16xf32>
      %get3A_525 = arith.constant 272 : index
      %get3A_526 = tpu.vector_load %arg8[%get3A_525] {strides = array<i32>} : memref<352xi32, #tpu.memory_space<vmem>>, vector<16xi32>,
      %bitcast3A_527 = vector.bitcast %get3A_526 : vector<16xi32> to vector<16xf32>
      %add3A_528 = arith.addf %bitcast3A, %bitcast3A_527 : vector<16xf32>
      %get3A_529 = arith.constant 288 : index
      %get3A_530 = tpu.vector_load %arg8[%get3A_529] {strides = array<i32>} : memref<352xi32, #tpu.memory_space<vmem>>, vector<16xi32>,
      %bitcast3A_531 = vector.bitcast %get3A_530 : vector<16xi32> to vector<16xf32>
      %add3A_532 = arith.addf %add3A_528, %bitcast3A_531 : vector<16xf32>
      %get3A_533 = arith.constant 304 : index
      %get3A_534 = tpu.vector_load %arg8[%get3A_533] {strides = array<i32>} : memref<352xi32, #tpu.memory_space<vmem>>, vector<16xi32>,
      %bitcast3A_535 = vector.bitcast %get3A_534 : vector<16xi32> to vector<16xf32>
      %get3A_536 = arith.constant 320 : index
      %get3A_537 = tpu.vector_load %arg8[%get3A_536] {strides = array<i32>} : memref<352xi32, #tpu.memory_space<vmem>>, vector<16xi32>,
      %bitcast3A_538 = vector.bitcast %get3A_537 : vector<16xi32> to vector<16xf32>
      %add3A_539 = arith.addf %bitcast3A_535, %bitcast3A_538 : vector<16xf32>
      %get3A_540 = arith.constant 336 : index
      %get3A_541 = tpu.vector_load %arg8[%get3A_540] {strides = array<i32>} : memref<352xi32, #tpu.memory_space<vmem>>, vector<16xi32>,
      %bitcast3A_542 = vector.bitcast %get3A_541 : vector<16xi32> to vector<16xf32>
      %add3A_543 = arith.addf %add3A_539, %bitcast3A_542 : vector<16xf32>
      %sub3A = arith.constant 3.276800e+04 : f32
      %sub3A_544 = vector.broadcast %sub3A : f32 to vector<16xf32>
      %sub3A_545 = arith.subf %sub3A_544, %convert_element_type3A_522 : vector<16xf32>
      %mul3A_546 = arith.mulf %sub3A_545, %add3A_532 : vector<16xf32>
      %mul3A_547 = arith.mulf %convert_element_type3A_522, %add3A_543 : vector<16xf32>
      %add3A_548 = arith.addf %mul3A_546, %mul3A_547 : vector<16xf32>
      %swap3A_549 = arith.constant 0 : index
      %swap3A_550 = tpu.vector_load %arg10[%swap3A_549] {strides = array<i32>} : memref<16xf32, #tpu.memory_space<vmem>>, vector<16xf32>,
      tpu.vector_store %arg10[%swap3A_549], %add3A_548 {strides = array<i32>} : memref<16xf32, #tpu.memory_space<vmem>>, vector<16xf32>,
      "tpu.region"() ({
        %run_scoped3A = tpu.sem_alloc : memref<!tpu.dma_semaphore, #tpu.memory_space<semaphore_mem>>
        tpu.enqueue_dma source(%arg10 : memref<16xf32, #tpu.memory_space<vmem>>) target(%arg4 : memref<16xf32, #tpu.memory_space<hbm>>) target_semaphore(%run_scoped3A : memref<!tpu.dma_semaphore, #tpu.memory_space<semaphore_mem>>)
        tpu.wait_dma2 semaphore(%run_scoped3A : memref<!tpu.dma_semaphore, #tpu.memory_space<semaphore_mem>>) src(%arg10 : memref<16xf32, #tpu.memory_space<vmem>>) dst(%arg4 : memref<16xf32, #tpu.memory_space<hbm>>)
        tpu.yield
      }) : () -> ()
    } else {
    }
    return
  }
}

</mosaic_0001>

<sc_bundles>
// kernel: kernel.3.cloned.1.call-start
scs
__scs_entry_jumppad:
0x0: {  	(pc) =	sbr.rel $0x88, $3  }
0x1: {  	(tag) =	ssettag $0x0;
	lr =	simm.s32 $0x1  }
0x2: {  	[smem:$0x3F9F] =	sst lr;
	_ =	strace $0xD0000000  }
0x3: {  	_ = 	snop  }
0x4: {  	_ = 	snop  }
0x5: {  	_ = 	snop  }
0x6: {  	_ = 	snop  }
0x7: {  	_ = 	snop  }
__scs_overlays_trampoline_lowered:
0x8: {  	[smem:$0x3FAE] =	sst s0  }
0x9: {  	[smem:$0x3FAF] =	sst s1  }
0xa: {  	[smem:$0x3FB0] =	sst s2  }
0xb: {  	[smem:$0x3FB1] =	sst s3  }
0xc: {  	[smem:$0x3FB2] =	sst s4  }
0xd: {  	[smem:$0x3FB3] =	sst s5  }
0xe: {  	[smem:$0x3FB4] =	sst s6  }
0xf: {  	[smem:$0x3FB5] =	sst s7  }
0x10: {  	[smem:$0x3FB6] =	sst s8  }
0x11: {  	[smem:$0x3FB7] =	sst s9;
	s0 =	simm.s32 @!p0 $0x0  }
0x12: {  	s1 =	sld [smem:$0x3F9D];
	s0 =	simm.s32 @p0 $0x1  }
0x13: {  	[smem:$0x3FB8] =	sst s0;
	s0 =	simm.s32 @!p1 $0x0  }
0x14: {  	s2 =	sld [smem:$0x3F9C];
	s0 =	simm.s32 @p1 $0x1  }
0x15: {  	[smem:$0x3FB9] =	sst s0;
	s0 =	simm.s32 @!p2 $0x0  }
0x16: {  	s3 =	sld [smem:$0x3FDB];
	s0 =	simm.s32 @p2 $0x1  }
0x17: {  	s4 =	simm.s32 $0x1BF5;
	[smem:$0x3FBB] =	sst s0  }
0x18: {  	s0 =	sld [smem:$0x3F9E];
	_ =	swait.ge [sflag:s4], $0x0  }
0x19: {  	s7 =	sld [smem:$0x3F9F]  }
0x1a: {  	s8 =	sadd.s32 $0xFFFFE003, lr  }
0x1b: {  	s9 =	sadd.s32 $0xFFFFFEF7, lr;
	s5 =	simm.s32 $0xFFFFFFFF;
	p2 =	slt.u32 s8, $0xFFFFF086  }
0x1c: {  	p1 =	slt.u32 s9, $0xF7A;
	s5 =	simm.s32 @!p2 $0x0  }
0x1d: {  	s5 =	simm.s32 @p1 $0x1;
	p0 =	seq.s32 s7, s2  }
0x1e: {  	s7 =	smul.u32 @!p0 $0xF7A, s2;
	p2 =	seq.s32 @!p0 s5, $0x0  }
0x1f: {  	s9 =	smul.u32 $0xF7A, s1;
	s8 =	simm.s32 @!p0 $0x1BF5;
	p2 =	por !p2, p0  }
0x20: {  	[sflag:s8] =	ssyncset.s32 @!p0 $0xFFFFF086;
	s6 =	sadd.s32 @!p0 s3, s7;
	s7 =	simm.s32 @!p0 $0x108  }
0x21: {  	s3 =	sadd.s32 s3, s9;
	s6 =	sadd.s32 @!p0 $0x88, s6;
	s7 =	simm.s32 @p2 $0x1082  }
0x22: {  	[simem:s7], [sflag:s8] =	dma.local @!p0 [hbm:s6], $0xF7A  }
0x23: {  	s9 =	sor.u32 $0xD0000000, s2;
	s6 =	simm.s32 $0x108;
	_ =	swait.ge @!p0 [sflag:s8], $0x0  }
0x24: {  	s3 =	sadd.s32 $0x88, s3;
	s6 =	simm.s32 @!p1 $0x1082;
	[sflag:s4] =	ssyncset.s32 $0xFFFFF086  }
0x25: {  	[simem:s6], [sflag:s4] =	dma.local [hbm:s3], $0xF7A  }
0x26: {  	[smem:$0x3F9F] =	sst s1;
	(tag) =	ssettag s2;
	_ =	strace s9  }
0x27: {  	s1 =	sld [smem:$0x3FAF]  }
0x28: {  	s2 =	sld [smem:$0x3FB0]  }
0x29: {  	s4 =	sld [smem:$0x3FB2]  }
0x2a: {  	p0 =	seq.s32 s5, $0x0;
	s5 =	sld [smem:$0x3FB3]  }
0x2b: {  	s6 =	sld [smem:$0x3FB4]  }
0x2c: {  	s7 =	sld [smem:$0x3FB5]  }
0x2d: {  	s3 =	simm.s32 $0x108;
	s8 =	sld [smem:$0x3FB6]  }
0x2e: {  	s3 =	simm.s32 @!p0 $0x1082;
	s9 =	sld [smem:$0x3FB7]  }
0x2f: {  	lr =	sadd.s32 s0, s3;
	s0 =	sld [smem:$0x3FAE]  }
0x30: {  	s3 =	sld [smem:$0x3FB1]  }
0x31: {  	[smem:$0x3FBA] =	sst s10  }
0x32: {  	s10 =	sld [smem:$0x3FB8];
	_ =	sdelay $0x3  }
0x33: {  	p0 =	seq.s32 s10, $0x1;
	s10 =	sld [smem:$0x3FBA];
	_ =	sdelay $0x3  }
0x34: {  	[smem:$0x3FBA] =	sst s10  }
0x35: {  	s10 =	sld [smem:$0x3FB9];
	_ =	sdelay $0x3  }
0x36: {  	p1 =	seq.s32 s10, $0x1;
	s10 =	sld [smem:$0x3FBA];
	_ =	sdelay $0x3  }
0x37: {  	[smem:$0x3FBA] =	sst s10  }
0x38: {  	s10 =	sld [smem:$0x3FBB]  }
0x39: {  	_ = 	snop;
	(pc) =	sbr.ind lr, $3  }
0x3a: {  	_ = 	snop  }
0x3b: {  	_ = 	snop  }
0x3c: {  	p2 =	seq.s32 s10, $0x1;
	s10 =	sld [smem:$0x3FBA]  }
0x3d: {  	_ =	shalt  }
0x3e: {  	_ =	shalt  }
0x3f: {  	_ =	shalt  }
0x40: {  	_ =	shalt  }
0x41: {  	_ =	shalt  }
0x42: {  	_ =	shalt  }
0x43: {  	_ =	shalt  }
0x44: {  	_ =	shalt  }
0x45: {  	_ =	shalt  }
0x46: {  	_ =	shalt  }
0x47: {  	_ =	shalt  }
0x48: {  	_ =	shalt  }
0x49: {  	_ =	shalt  }
0x4a: {  	_ =	shalt  }
0x4b: {  	_ =	shalt  }
0x4c: {  	_ =	shalt  }
0x4d: {  	_ =	shalt  }
0x4e: {  	_ =	shalt  }
0x4f: {  	_ =	shalt  }
0x50: {  	_ =	shalt  }
0x51: {  	_ =	shalt  }
0x52: {  	_ =	shalt  }
0x53: {  	_ =	shalt  }
0x54: {  	_ =	shalt  }
0x55: {  	_ =	shalt  }
0x56: {  	_ =	shalt  }
0x57: {  	_ =	shalt  }
0x58: {  	_ =	shalt  }
0x59: {  	_ =	shalt  }
0x5a: {  	_ =	shalt  }
0x5b: {  	_ =	shalt  }
0x5c: {  	_ =	shalt  }
0x5d: {  	_ =	shalt  }
0x5e: {  	_ =	shalt  }
0x5f: {  	_ =	shalt  }
0x60: {  	_ =	shalt  }
0x61: {  	_ =	shalt  }
0x62: {  	_ =	shalt  }
0x63: {  	_ =	shalt  }
0x64: {  	_ =	shalt  }
0x65: {  	_ =	shalt  }
0x66: {  	_ =	shalt  }
0x67: {  	_ =	shalt  }
0x68: {  	_ =	shalt  }
0x69: {  	_ =	shalt  }
0x6a: {  	_ =	shalt  }
0x6b: {  	_ =	shalt  }
0x6c: {  	_ =	shalt  }
0x6d: {  	_ =	shalt  }
0x6e: {  	_ =	shalt  }
0x6f: {  	_ =	shalt  }
0x70: {  	_ =	shalt  }
0x71: {  	_ =	shalt  }
0x72: {  	_ =	shalt  }
0x73: {  	_ =	shalt  }
0x74: {  	_ =	shalt  }
0x75: {  	_ =	shalt  }
0x76: {  	_ =	shalt  }
0x77: {  	_ =	shalt  }
0x78: {  	_ =	shalt  }
0x79: {  	_ =	shalt  }
0x7a: {  	_ =	shalt  }
0x7b: {  	_ =	shalt  }
0x7c: {  	_ =	shalt  }
0x7d: {  	_ =	shalt  }
0x7e: {  	_ =	shalt  }
0x7f: {  	_ =	shalt  }
0x80: {  	_ =	shalt  }
0x81: {  	_ =	shalt  }
0x82: {  	_ =	shalt  }
0x83: {  	_ =	shalt  }
0x84: {  	_ =	shalt  }
0x85: {  	_ =	shalt  }
0x86: {  	_ =	shalt  }
0x87: {  	_ =	shalt  }
.Lfunc_end0:
.L_simem_size_0:
called_computation_lowered:
.L_overlay_start_0:
0x88: {  	s0 =	sld [smem:$0x3FD9]  }
0x89: {  	s1 =	sld [smem:$0x3FFE];
	_ =	sdelay $0x3  }
0x8a: {  	s0 =	sadd.s32 s1, s0  }
0x8b: {  	[smem:$0x3FC6] =	sst s0  }
0x8c: {  	_ = 	snop  }
0x8d: {  	s0 =	sld [smem:$0x3FD0];
	(tm) =	ssettm $0x1  }
0x8e: {  	s16 =	sld [smem:$0x3FFB];
	_ =	sdelay $0x3  }
0x8f: {  	_ =	strace s16  }
0x90: {  	s1 =	sld [smem:$0x3FFC];
	_ =	sdelay $0x3  }
0x91: {  	_ =	strace s1  }
0x92: {  	s1 =	sld [smem:$0x3FFD];
	_ =	sdelay $0x3  }
0x93: {  	_ =	strace s1  }
0x94: {  	_ =	strace $0x8FFFFFFF  }
0x95: {  	s17 =	sld [smem:$0x3FDB];
	_ =	sdelay $0x1  }
0x96: {  	s2 =	simm.s32 $_scs_section_size  }
0x97: {  	s3 =	simm.s32 $_size__tile_overlayer_lowered;
	s4 =	simm.s32 $_tile_overlayer_lowered  }
0x98: {  	s20 =	simm.s32 $0x1BFF;
	s19 =	sshll.u32 s4, $0x1;
	s1 =	sadd.s32 s2, s17  }
0x99: {  	s5 =	simm.s32 $0x0;
	s18 =	sshll.u32 s3, $0x1;
	s3 =	sadd.s32 s19, s1  }
0x9a: {  	[timem:s5], [sflag:s20] =	dma.local [hbm:s3], s18  }
0x9b: {  	_ =	swait.ge [sflag:s20], s18  }
0x9c: {  	s2 =	ssub.s32 $0x0, s18;
	[sflag:s20] =	ssyncset.done $0x0  }
0x9d: {  	[sflag:s20] =	ssyncadd.s32 s2;
	_ =	sdelay $0x1  }
0x9e: {  	s21 =	simm.s32 $0x1B8B  }
0x9f: {  	_ =	swait.ge [sflag:s21], $0x1  }
0xa0: {  	[sflag:s21] =	ssyncset.done $0x0  }
0xa1: {  	s23 =	simm.s32 $0x1B8E;
	s22 =	sld [smem:$0x3FFE];
	[sflag:s21] =	ssyncadd.s32 $0xFFFFFFFF  }
0xa2: {  	s24 =	simm.s32 $execute0_lowered;
	[smem:$0x3FD2] =	sst s23  }
0xa3: {  	s3 =	sshll.u32 s24, $0x1;
	_ =	strace $0x80000046;
	[dreg:$0x1] =	wrdreg $0xFFFFFFFF  }
0xa4: {  	s25 =	simm.s32 $_size_execute0_lowered;
	s1 =	sadd.s32 s1, s3;
	[dreg:$0x0] =	wrdreg $0x0  }
0xa5: {  	s3 =	sshll.u32 s25, $0x1;
	[dreg:$0x2] =	wrdreg s1  }
0xa6: {  	[dreg:$0x3] =	wrdreg s3  }
0xa7: {  	[dreg:$0x4] =	wrdreg $0xC0  }
0xa8: {  	_ =	task [dreg:s5], $0x5FFFF  }
0xa9: {  	[dreg:$0x1] =	wrdreg $0xFFFFFFFF  }
0xaa: {  	[dreg:$0x0] =	wrdreg $0x60  }
0xab: {  	[dreg:$0x2] =	wrdreg s22  }
0xac: {  	[dreg:$0x3] =	wrdreg s0  }
0xad: {  	[dreg:$0x4] =	wrdreg $0xC000  }
0xae: {  	[dreg:$0x5] =	wrdreg $0x9  }
0xaf: {  	_ =	task.clear_ibuf [dreg:s5], $0x6FFFF;
	_ =	strace $0x90000046  }
0xb0: {  	s26 =	simm.s32 $0x9;
	_ =	strace $0x80000048  }
0xb1: {  	_ =	swait.ge [sflag:s26], $0x1  }
0xb2: {  	[sflag:s26] =	ssyncadd.s32 $0xFFFFFFFF  }
0xb3: {  	_ =	strace $0x90000048  }
0xb4: {  	_ =	sfence  }
0xb5: {  	s28 =	sld [smem:$0x0];
	_ =	sdelay $0x1  }
0xb6: {  	s29 =	srdreg.scid  }
0xb7: {  	s30 =	sshll.u32 s29, $0xD;
	s31 =	sshrl.u32 s29, $0x2  }
0xb8: {  	s2 =	sand.u32 $0x4000, s30;
	s1 =	sand.u32 $0x1, s29;
	s0 =	sadd.s32 s31, s28  }
0xb9: {  	s1 =	sor.u32 s2, s1;
	s0 =	sshll.u32 s0, $0x11  }
0xba: {  	s0 =	sor.u32 s0, s1  }
0xbb: {  	s0 =	sadd.s32 $0x8F2B, s0  }
0xbc: {  	[sflag:s0] =	ssyncadd.remote.s32 $0x1  }
0xbd: {  	_ =	sfence.sel $0xFFFF  }
0xbe: {  	[dreg:$0x0] =	wrdreg $0xFFFFFFFF;
	(pc) =	sbr.abs _section_cstart, $3  }
0xbf: {  	[dreg:$0x1] =	wrdreg $0xFFFFFFFF  }
0xc0: {  	_ =	task.clear_ibuf [dreg:s5], $0x2FFFF;
	_ =	strace $0x9FFFFFFF  }
0xc1: {  	(tm) =	ssettm $0x7FFFFFFF  }
tec
execute0_lowered:
.L_overlay_start_1:
0x0: {  	(tag) =	ssettag $0x1  }
0x1: {  	s5 =	rddreg [dreg:$0x0]  }
0x2: {  	s2 =	rddreg [dreg:$0x1]  }
0x3: {  	s3 =	rddreg [dreg:$0x2];
	s1 =	stileid.u32  }
0x4: {  	s0 =	rddreg [dreg:$0x3];
	p1 =	sgt.s32 s1, $0xC  }
.Ltmp0:
0x5: {  	s4 =	simm.s32 $0x0;
	s6 =	sshll.u32 s1, $0x8;
	(pc) =	sbr.rel @p1 .LBB2_5-.Ltmp0, $4  }
0x6: {  	[smem:$0x7FF] =	sst s4;
	s6 =	sadd.s32 s6, s5  }
0x7: {  	s31 =	sshll.u32 s1, $0x4;
	_ =	strace $0x80000047;
	s6 =	sadd.s32 $0x600, s6  }
0x8: {  	[tilespmem:s4], [sflag:$0x1] =	stream.linear.gather [hbm4b:s6+s4], $0x800, $0x38;
	[tilespmem:$0xC18] =	vst v63  }
0x9: {  	p0 =	por $0x0, $0x0;
	s4 =	sadd.s32 s31, s3  }
0xa: {  	p1 =	seq.s32 s1, $0xA  }
.Ltmp1:
0xb: {  	_ = 	snop;
	(pc) =	sbr.rel @p1 .LBB2_9-.Ltmp1, $1  }
0xc: {  	_ =	sdelay $0x3  }
0xd: {  	p1 =	seq.s32 s1, $0xB  }
.Ltmp2:
0xe: {  	_ = 	snop;
	(pc) =	sbr.rel @p1 .LBB2_10-.Ltmp2, $1  }
0xf: {  	_ =	sdelay $0x3  }
0x10: {  	p5 =	seq.s32 s1, $0xC  }
.Ltmp3:
0x11: {  	_ = 	snop;
	(pc) =	sbr.rel @!p5 .LBB2_14-.Ltmp3, $3  }
0x12: {  	_ =	sdelay $0x1  }
0x13: {  	p1 =	por $0x0, $0x0  }
0x14: {  	p2 =	por $0x0, $0x0;
	p3 =	por $0x0, $0x0;
	p4 =	por $0x0, $0x0  }
.Ltmp4:
0x15: {  	(pc) =	sbr.rel .LBB2_13-.Ltmp4, $4  }
0x16: {  	_ = 	snop  }
0x17: {  	s6 =	sadd.s32 $0x440, s5  }
0x18: {  	s5 =	sadd.s32 $0x120, s3;
	p3 =	por $0x1, $0x1;
	p0 =	por $0x0, $0x0  }
0x19: {  	p1 =	por $0x0, $0x0;
	p2 =	por $0x0, $0x0;
	p4 =	por $0x0, $0x0  }
.LBB2_5:
0x1a: {  	p1 =	seq.s32 s1, $0xD  }
.Ltmp5:
0x1b: {  	_ = 	snop;
	(pc) =	sbr.rel @p1 .LBB2_11-.Ltmp5, $1  }
0x1c: {  	_ =	sdelay $0x3  }
0x1d: {  	p1 =	seq.s32 s1, $0xE  }
.Ltmp6:
0x1e: {  	_ = 	snop;
	(pc) =	sbr.rel @p1 .LBB2_12-.Ltmp6, $1  }
0x1f: {  	_ =	sdelay $0x3  }
0x20: {  	p5 =	seq.s32 s1, $0xF  }
.Ltmp7:
0x21: {  	_ = 	snop;
	(pc) =	sbr.rel @!p5 .LBB2_14-.Ltmp7, $3  }
0x22: {  	_ =	sdelay $0x1  }
0x23: {  	p1 =	por $0x0, $0x0  }
0x24: {  	p2 =	por $0x0, $0x0;
	p3 =	por $0x0, $0x0;
	p4 =	por $0x0, $0x0  }
.Ltmp8:
0x25: {  	(pc) =	sbr.rel .LBB2_13-.Ltmp8, $4  }
0x26: {  	_ = 	snop  }
0x27: {  	s6 =	sadd.s32 $0x4A0, s5  }
0x28: {  	s5 =	sadd.s32 $0x150, s3;
	p1 =	por $0x0, $0x0;
	p0 =	por $0x1, $0x1  }
0x29: {  	p2 =	por $0x0, $0x0;
	p3 =	por $0x0, $0x0;
	p4 =	por $0x0, $0x0  }
.LBB2_9:
.Ltmp9:
0x2a: {  	(pc) =	sbr.rel .LBB2_13-.Ltmp9, $4  }
0x2b: {  	_ = 	snop  }
0x2c: {  	s6 =	sadd.s32 $0x400, s5  }
0x2d: {  	s5 =	sadd.s32 $0x100, s3;
	p0 =	por $0x0, $0x0;
	p1 =	por $0x0, $0x0  }
0x2e: {  	p2 =	por $0x0, $0x0;
	p3 =	por $0x0, $0x0;
	p4 =	por $0x0, $0x0  }
.LBB2_11:
.Ltmp10:
0x2f: {  	(pc) =	sbr.rel .LBB2_13-.Ltmp10, $4  }
0x30: {  	_ = 	snop  }
0x31: {  	s6 =	sadd.s32 $0x460, s5  }
0x32: {  	s5 =	sadd.s32 $0x130, s3;
	p1 =	por $0x1, $0x1;
	p0 =	por $0x0, $0x0  }
0x33: {  	p2 =	por $0x0, $0x0;
	p3 =	por $0x0, $0x0;
	p4 =	por $0x0, $0x0  }
.LBB2_10:
.Ltmp11:
0x34: {  	(pc) =	sbr.rel .LBB2_13-.Ltmp11, $4  }
0x35: {  	_ = 	snop  }
0x36: {  	s6 =	sadd.s32 $0x420, s5  }
0x37: {  	s5 =	sadd.s32 $0x110, s3;
	p2 =	por $0x1, $0x1;
	p0 =	por $0x0, $0x0  }
0x38: {  	p1 =	por $0x0, $0x0;
	p3 =	por $0x0, $0x0;
	p4 =	por $0x0, $0x0  }
.LBB2_12:
0x39: {  	s6 =	sadd.s32 $0x480, s5  }
0x3a: {  	s5 =	sadd.s32 $0x140, s3;
	p4 =	por $0x1, $0x1;
	p0 =	por $0x0, $0x0  }
0x3b: {  	p1 =	por $0x0, $0x0;
	p2 =	por $0x0, $0x0;
	p3 =	por $0x0, $0x0  }
.LBB2_13:
0x3c: {  	s7 =	simm.s32 $0x0;
	s8 =	simm.s32 $0xA80;
	s29 =	simm.s32 $0x2  }
0x3d: {  	[tilespmem:s8], [sflag:$0x2] =	stream.linear.gather [hbm4b:s6+s7], $0x100, $0x38;
	[tilespmem:$0xC18] =	vst v63  }
0x3e: {  	_ =	swait.ge [sflag:s29], $0x100  }
0x3f: {  	[sflag:s29] =	ssyncset.done $0x0  }
0x40: {  	[sflag:s29] =	ssyncadd.s32 $0xFFFFFF00  }
0x41: {  	v0 =	vld [tilespmem:$0xA80]  }
0x42: {  	v1 =	vld [tilespmem:$0xA90]  }
0x43: {  	v2 =	vld [tilespmem:$0xAA0]  }
0x44: {  	v3 =	vld [tilespmem:$0xAB0]  }
0x45: {  	v4 =	vld [tilespmem:$0xAC0]  }
0x46: {  	v5 =	vld [tilespmem:$0xAD0]  }
0x47: {  	v6 =	vld [tilespmem:$0xAE0]  }
0x48: {  	v42 =	vld [tilespmem:$0xAF0]  }
0x49: {  	v43 =	vld [tilespmem:$0xB00];
	v0 =	vadd.f32 v2, v0;
	v1 =	vadd.f32 v3, v1  }
0x4a: {  	v44 =	vld [tilespmem:$0xB10]  }
0x4b: {  	v45 =	vld [tilespmem:$0xB20];
	v0 =	vadd.f32 v4, v0;
	v1 =	vadd.f32 v5, v1  }
0x4c: {  	v46 =	vld [tilespmem:$0xB30]  }
0x4d: {  	v7 =	vimm.s32 $0xEFCDAB89;
	v47 =	vld [tilespmem:$0xB40];
	v0 =	vadd.f32 v6, v0;
	v1 =	vadd.f32 v42, v1  }
0x4e: {  	v8 =	vimm.s32 $0x67452301;
	v7 =	vunpack.c.l.s4.s8 v7;
	v48 =	vld [tilespmem:$0xB50]  }
0x4f: {  	v8 =	vunpack.c.l.s4.s8 v8;
	v49 =	vld [tilespmem:$0xB60];
	v0 =	vadd.f32 v43, v0;
	v1 =	vadd.f32 v44, v1  }
0x50: {  	v51 =	vunpack.c.0.s8.s32 v7;
	v50 =	vld [tilespmem:$0xB70]  }
0x51: {  	v52 =	vunpack.c.0.s8.s32 v8;
	v0 =	vadd.f32 v45, v0;
	v1 =	vadd.f32 v46, v1;
	_ =	sdelay $0x1  }
0x52: {  	v53 =	vcombine.low v52, v51;
	v0 =	vadd.f32 v47, v0;
	v1 =	vadd.f32 v48, v1;
	_ =	sdelay $0x1  }
0x53: {  	v2 =	vand.u32 $0xF, v53;
	v0 =	vadd.f32 v49, v0;
	v1 =	vadd.f32 v50, v1  }
0x54: {  	v54 =	vimm.s32 $0xDCFE98BA;
	v55 =	vimm.s32 $0x54761032  }
0x55: {  	v56 =	vunpack.c.l.s4.s8 v54;
	v57 =	vunpack.c.l.s4.s8 v55;
	v0 =	vadd.f32 v1, v0;
	_ =	sdelay $0x1  }
0x56: {  	s30 =	simm.s32 $0xB80;
	v3 =	vunpack.c.0.s8.s32 v57;
	v1 =	vunpack.c.0.s8.s32 v56;
	[tilespmem:$0xB80] =	vst v0  }
0x57: {  	v2 =	vld.idx.msk [tilespmem:v2+s30+$0x0], $0xffff  }
0x58: {  	v1 =	vcombine.low v3, v1;
	_ =	sdelay $0x1  }
0x59: {  	v1 =	vand.u32 $0xF, v1  }
0x5a: {  	v58 =	vimm.s32 $0xBA98FEDC;
	v59 =	vimm.s32 $0x32107654  }
0x5b: {  	v60 =	vunpack.c.l.s4.s8 v58;
	v61 =	vunpack.c.l.s4.s8 v59;
	v0 =	vadd.f32 v2, v0;
	_ =	sdelay $0x1  }
0x5c: {  	v3 =	vunpack.c.0.s8.s32 v61;
	v2 =	vunpack.c.0.s8.s32 v60;
	[tilespmem:$0xB80] =	vst v0  }
0x5d: {  	v1 =	vld.idx.msk [tilespmem:v1+s30+$0x0], $0xffff  }
0x5e: {  	v2 =	vcombine.low v3, v2;
	_ =	sdelay $0x1  }
0x5f: {  	v2 =	vand.u32 $0xF, v2  }
0x60: {  	v62 =	vimm.s32 $0xFEDCBA98  }
0x61: {  	v63 =	vimm.s32 $0x76543210;
	v3 =	vunpack.c.l.s4.s8 v62;
	v0 =	vadd.f32 v1, v0  }
0x62: {  	v1 =	vunpack.c.l.s4.s8 v63  }
0x63: {  	v3 =	vunpack.c.0.s8.s32 v3;
	[tilespmem:$0xB80] =	vst v0  }
0x64: {  	v1 =	vunpack.c.0.s8.s32 v1;
	v2 =	vld.idx.msk [tilespmem:v2+s30+$0x0], $0xffff  }
0x65: {  	v3 =	vand.u32 $0xF, v3  }
0x66: {  	v1 =	vcombine.low v3, v1;
	_ =	sdelay $0x2  }
0x67: {  	v0 =	vadd.f32 v2, v0;
	_ =	sdelay $0x1  }
0x68: {  	[tilespmem:$0xB80] =	vst v0  }
0x69: {  	v1 =	vld.idx.msk [tilespmem:v1+s30+$0x0], $0xffff;
	_ =	sdelay $0x4  }
0x6a: {  	v0 =	vadd.f32 v1, v0;
	_ =	sdelay $0x1  }
0x6b: {  	s31 =	simm.s32 $0x880;
	[tilespmem:$0x880] =	vst v0  }
0x6c: {  	[spmem:s5] =	stream.linear.scatter [tilespmem:s31], [sflag:$0x2], $0x10, $0x38;
	[tilespmem:$0xC18] =	vst v63  }
.LBB2_14:
0x6d: {  	s5 =	simm.s32 $0x1  }
0x6e: {  	_ =	swait.ge [sflag:s5], $0x800  }
0x6f: {  	[sflag:s5] =	ssyncset.done $0x0  }
0x70: {  	[sflag:s5] =	ssyncadd.s32 $0xFFFFF800  }
0x71: {  	v0 =	vld [tilespmem:$0x0]  }
0x72: {  	v1 =	vld [tilespmem:$0x10]  }
0x73: {  	v2 =	vld [tilespmem:$0x20]  }
0x74: {  	v3 =	vld [tilespmem:$0x30]  }
0x75: {  	v4 =	vld [tilespmem:$0x40]  }
0x76: {  	v5 =	vld [tilespmem:$0x50]  }
0x77: {  	v6 =	vld [tilespmem:$0x60];
	v0 =	vadd.s32 v0, v1  }
0x78: {  	v38 =	vld [tilespmem:$0x70];
	v0 =	vadd.s32 v2, v0  }
0x79: {  	v39 =	vld [tilespmem:$0x80];
	v0 =	vadd.s32 v3, v0  }
0x7a: {  	v40 =	vld [tilespmem:$0x90];
	v0 =	vadd.s32 v4, v0  }
0x7b: {  	v41 =	vld [tilespmem:$0xA0];
	v0 =	vadd.s32 v5, v0  }
0x7c: {  	v42 =	vld [tilespmem:$0xB0];
	v0 =	vadd.s32 v6, v0  }
0x7d: {  	v43 =	vld [tilespmem:$0xC0];
	v0 =	vadd.s32 v38, v0  }
0x7e: {  	v44 =	vld [tilespmem:$0xD0];
	v0 =	vadd.s32 v39, v0  }
0x7f: {  	v45 =	vld [tilespmem:$0xE0];
	v0 =	vadd.s32 v40, v0  }
0x80: {  	v46 =	vld [tilespmem:$0xF0];
	v0 =	vadd.s32 v41, v0  }
0x81: {  	v47 =	vld [tilespmem:$0x100];
	v0 =	vadd.s32 v42, v0  }
0x82: {  	v48 =	vld [tilespmem:$0x110];
	v0 =	vadd.s32 v43, v0  }
0x83: {  	v49 =	vld [tilespmem:$0x120];
	v0 =	vadd.s32 v44, v0  }
0x84: {  	v50 =	vld [tilespmem:$0x130];
	v0 =	vadd.s32 v45, v0  }
0x85: {  	v51 =	vld [tilespmem:$0x140];
	v0 =	vadd.s32 v46, v0  }
0x86: {  	v52 =	vld [tilespmem:$0x150];
	v0 =	vadd.s32 v47, v0  }
0x87: {  	v53 =	vld [tilespmem:$0x160];
	v0 =	vadd.s32 v48, v0  }
0x88: {  	v54 =	vld [tilespmem:$0x170];
	v0 =	vadd.s32 v49, v0  }
0x89: {  	v55 =	vld [tilespmem:$0x180];
	v0 =	vadd.s32 v50, v0  }
0x8a: {  	v56 =	vld [tilespmem:$0x190];
	v0 =	vadd.s32 v51, v0  }
0x8b: {  	v57 =	vld [tilespmem:$0x1A0];
	v0 =	vadd.s32 v52, v0  }
0x8c: {  	v58 =	vld [tilespmem:$0x1B0];
	v0 =	vadd.s32 v53, v0  }
0x8d: {  	v59 =	vld [tilespmem:$0x1C0];
	v0 =	vadd.s32 v54, v0  }
0x8e: {  	v60 =	vld [tilespmem:$0x1D0];
	v0 =	vadd.s32 v55, v0  }
0x8f: {  	v61 =	vld [tilespmem:$0x1E0];
	v0 =	vadd.s32 v56, v0  }
0x90: {  	v62 =	vld [tilespmem:$0x1F0];
	v0 =	vadd.s32 v57, v0  }
0x91: {  	v63 =	vld [tilespmem:$0x200];
	v0 =	vadd.s32 v58, v0  }
0x92: {  	v9 =	vld [tilespmem:$0x210];
	v0 =	vadd.s32 v59, v0  }
0x93: {  	v10 =	vld [tilespmem:$0x220];
	v0 =	vadd.s32 v60, v0  }
0x94: {  	v11 =	vld [tilespmem:$0x230];
	v0 =	vadd.s32 v61, v0  }
0x95: {  	v12 =	vld [tilespmem:$0x240];
	v0 =	vadd.s32 v62, v0  }
0x96: {  	v13 =	vld [tilespmem:$0x250];
	v0 =	vadd.s32 v63, v0  }
0x97: {  	v14 =	vld [tilespmem:$0x260];
	v0 =	vadd.s32 v9, v0  }
0x98: {  	v15 =	vld [tilespmem:$0x270];
	v0 =	vadd.s32 v10, v0  }
0x99: {  	v16 =	vld [tilespmem:$0x280];
	v0 =	vadd.s32 v11, v0  }
0x9a: {  	v17 =	vld [tilespmem:$0x290];
	v0 =	vadd.s32 v12, v0  }
0x9b: {  	v18 =	vld [tilespmem:$0x2A0];
	v0 =	vadd.s32 v13, v0  }
0x9c: {  	v19 =	vld [tilespmem:$0x2B0];
	v0 =	vadd.s32 v14, v0  }
0x9d: {  	v20 =	vld [tilespmem:$0x2C0];
	v0 =	vadd.s32 v15, v0  }
0x9e: {  	v21 =	vld [tilespmem:$0x2D0];
	v0 =	vadd.s32 v16, v0  }
0x9f: {  	v22 =	vld [tilespmem:$0x2E0];
	v0 =	vadd.s32 v17, v0  }
0xa0: {  	v23 =	vld [tilespmem:$0x2F0];
	v0 =	vadd.s32 v18, v0  }
0xa1: {  	v24 =	vld [tilespmem:$0x300];
	v0 =	vadd.s32 v19, v0  }
0xa2: {  	v25 =	vld [tilespmem:$0x310];
	v0 =	vadd.s32 v20, v0  }
0xa3: {  	v26 =	vld [tilespmem:$0x320];
	v0 =	vadd.s32 v21, v0  }
0xa4: {  	v27 =	vld [tilespmem:$0x330];
	v0 =	vadd.s32 v22, v0  }
0xa5: {  	v28 =	vld [tilespmem:$0x340];
	v0 =	vadd.s32 v23, v0  }
0xa6: {  	v29 =	vld [tilespmem:$0x350];
	v0 =	vadd.s32 v24, v0  }
0xa7: {  	v30 =	vld [tilespmem:$0x360];
	v0 =	vadd.s32 v25, v0  }
0xa8: {  	v31 =	vld [tilespmem:$0x370];
	v0 =	vadd.s32 v26, v0  }
0xa9: {  	v32 =	vld [tilespmem:$0x380];
	v0 =	vadd.s32 v27, v0  }
0xaa: {  	v33 =	vld [tilespmem:$0x390];
	v0 =	vadd.s32 v28, v0  }
0xab: {  	v34 =	vld [tilespmem:$0x3A0];
	v0 =	vadd.s32 v29, v0  }
0xac: {  	v35 =	vld [tilespmem:$0x3B0];
	v0 =	vadd.s32 v30, v0  }
0xad: {  	v36 =	vld [tilespmem:$0x3C0];
	v0 =	vadd.s32 v31, v0  }
0xae: {  	v37 =	vld [tilespmem:$0x3D0];
	v0 =	vadd.s32 v32, v0  }
0xaf: {  	v38 =	vld [tilespmem:$0x3E0];
	v0 =	vadd.s32 v33, v0  }
0xb0: {  	v39 =	vld [tilespmem:$0x3F0];
	v0 =	vadd.s32 v34, v0  }
0xb1: {  	v40 =	vld [tilespmem:$0x400];
	v0 =	vadd.s32 v35, v0  }
0xb2: {  	v41 =	vld [tilespmem:$0x410];
	v0 =	vadd.s32 v36, v0  }
0xb3: {  	v42 =	vld [tilespmem:$0x420];
	v0 =	vadd.s32 v37, v0  }
0xb4: {  	v43 =	vld [tilespmem:$0x430];
	v0 =	vadd.s32 v38, v0  }
0xb5: {  	v44 =	vld [tilespmem:$0x440];
	v0 =	vadd.s32 v39, v0  }
0xb6: {  	v45 =	vld [tilespmem:$0x450];
	v0 =	vadd.s32 v40, v0  }
0xb7: {  	v46 =	vld [tilespmem:$0x460];
	v0 =	vadd.s32 v41, v0  }
0xb8: {  	v47 =	vld [tilespmem:$0x470];
	v0 =	vadd.s32 v42, v0  }
0xb9: {  	v48 =	vld [tilespmem:$0x480];
	v0 =	vadd.s32 v43, v0  }
0xba: {  	v49 =	vld [tilespmem:$0x490];
	v0 =	vadd.s32 v44, v0  }
0xbb: {  	v50 =	vld [tilespmem:$0x4A0];
	v0 =	vadd.s32 v45, v0  }
0xbc: {  	v51 =	vld [tilespmem:$0x4B0];
	v0 =	vadd.s32 v46, v0  }
0xbd: {  	v52 =	vld [tilespmem:$0x4C0];
	v0 =	vadd.s32 v47, v0  }
0xbe: {  	v53 =	vld [tilespmem:$0x4D0];
	v0 =	vadd.s32 v48, v0  }
0xbf: {  	v54 =	vld [tilespmem:$0x4E0];
	v0 =	vadd.s32 v49, v0  }
0xc0: {  	v55 =	vld [tilespmem:$0x4F0];
	v0 =	vadd.s32 v50, v0  }
0xc1: {  	v56 =	vld [tilespmem:$0x500];
	v0 =	vadd.s32 v51, v0  }
0xc2: {  	v57 =	vld [tilespmem:$0x510];
	v0 =	vadd.s32 v52, v0  }
0xc3: {  	v58 =	vld [tilespmem:$0x520];
	v0 =	vadd.s32 v53, v0  }
0xc4: {  	v59 =	vld [tilespmem:$0x530];
	v0 =	vadd.s32 v54, v0  }
0xc5: {  	v60 =	vld [tilespmem:$0x540];
	v0 =	vadd.s32 v55, v0  }
0xc6: {  	v61 =	vld [tilespmem:$0x550];
	v0 =	vadd.s32 v56, v0  }
0xc7: {  	v62 =	vld [tilespmem:$0x560];
	v0 =	vadd.s32 v57, v0  }
0xc8: {  	v63 =	vld [tilespmem:$0x570];
	v0 =	vadd.s32 v58, v0  }
0xc9: {  	v9 =	vld [tilespmem:$0x580];
	v0 =	vadd.s32 v59, v0  }
0xca: {  	v10 =	vld [tilespmem:$0x590];
	v0 =	vadd.s32 v60, v0  }
0xcb: {  	v11 =	vld [tilespmem:$0x5A0];
	v0 =	vadd.s32 v61, v0  }
0xcc: {  	v12 =	vld [tilespmem:$0x5B0];
	v0 =	vadd.s32 v62, v0  }
0xcd: {  	v13 =	vld [tilespmem:$0x5C0];
	v0 =	vadd.s32 v63, v0  }
0xce: {  	v14 =	vld [tilespmem:$0x5D0];
	v0 =	vadd.s32 v9, v0  }
0xcf: {  	v15 =	vld [tilespmem:$0x5E0];
	v0 =	vadd.s32 v10, v0  }
0xd0: {  	v16 =	vld [tilespmem:$0x5F0];
	v0 =	vadd.s32 v11, v0  }
0xd1: {  	v17 =	vld [tilespmem:$0x600];
	v0 =	vadd.s32 v12, v0  }
0xd2: {  	v18 =	vld [tilespmem:$0x610];
	v0 =	vadd.s32 v13, v0  }
0xd3: {  	v19 =	vld [tilespmem:$0x620];
	v0 =	vadd.s32 v14, v0  }
0xd4: {  	v20 =	vld [tilespmem:$0x630];
	v0 =	vadd.s32 v15, v0  }
0xd5: {  	v21 =	vld [tilespmem:$0x640];
	v0 =	vadd.s32 v16, v0  }
0xd6: {  	v22 =	vld [tilespmem:$0x650];
	v0 =	vadd.s32 v17, v0  }
0xd7: {  	v23 =	vld [tilespmem:$0x660];
	v0 =	vadd.s32 v18, v0  }
0xd8: {  	v24 =	vld [tilespmem:$0x670];
	v0 =	vadd.s32 v19, v0  }
0xd9: {  	v25 =	vld [tilespmem:$0x680];
	v0 =	vadd.s32 v20, v0  }
0xda: {  	v26 =	vld [tilespmem:$0x690];
	v0 =	vadd.s32 v21, v0  }
0xdb: {  	v27 =	vld [tilespmem:$0x6A0];
	v0 =	vadd.s32 v22, v0  }
0xdc: {  	v28 =	vld [tilespmem:$0x6B0];
	v0 =	vadd.s32 v23, v0  }
0xdd: {  	v29 =	vld [tilespmem:$0x6C0];
	v0 =	vadd.s32 v24, v0  }
0xde: {  	v30 =	vld [tilespmem:$0x6D0];
	v0 =	vadd.s32 v25, v0  }
0xdf: {  	v31 =	vld [tilespmem:$0x6E0];
	v0 =	vadd.s32 v26, v0  }
0xe0: {  	v32 =	vld [tilespmem:$0x6F0];
	v0 =	vadd.s32 v27, v0  }
0xe1: {  	v33 =	vld [tilespmem:$0x700];
	v0 =	vadd.s32 v28, v0  }
0xe2: {  	v34 =	vld [tilespmem:$0x710];
	v0 =	vadd.s32 v29, v0  }
0xe3: {  	v35 =	vld [tilespmem:$0x720];
	v0 =	vadd.s32 v30, v0  }
0xe4: {  	v36 =	vld [tilespmem:$0x730];
	v0 =	vadd.s32 v31, v0  }
0xe5: {  	v37 =	vld [tilespmem:$0x740];
	v0 =	vadd.s32 v32, v0  }
0xe6: {  	v38 =	vld [tilespmem:$0x750];
	v0 =	vadd.s32 v33, v0  }
0xe7: {  	v39 =	vld [tilespmem:$0x760];
	v0 =	vadd.s32 v34, v0  }
0xe8: {  	v40 =	vld [tilespmem:$0x770];
	v0 =	vadd.s32 v35, v0  }
0xe9: {  	v41 =	vld [tilespmem:$0x780];
	v0 =	vadd.s32 v36, v0  }
0xea: {  	v42 =	vld [tilespmem:$0x790];
	v0 =	vadd.s32 v37, v0  }
0xeb: {  	v7 =	vimm.s32 $0x67452301;
	v43 =	vld [tilespmem:$0x7A0];
	v45 =	vimm.s32 $0xEFCDAB89;
	v0 =	vadd.s32 v38, v0  }
0xec: {  	v7 =	vunpack.c.l.s4.s8 v7;
	v44 =	vld [tilespmem:$0x7B0];
	v4 =	vunpack.c.l.s4.s8 v45;
	v0 =	vadd.s32 v39, v0  }
0xed: {  	v46 =	vld [tilespmem:$0x7C0];
	v0 =	vadd.s32 v40, v0  }
0xee: {  	v47 =	vld [tilespmem:$0x7D0];
	v4 =	vunpack.c.0.s8.s32 v4;
	v48 =	vunpack.c.0.s8.s32 v7;
	v0 =	vadd.s32 v41, v0  }
0xef: {  	v49 =	vld [tilespmem:$0x7E0];
	v0 =	vadd.s32 v42, v0  }
0xf0: {  	v50 =	vld [tilespmem:$0x7F0];
	v4 =	vcombine.low v48, v4;
	v0 =	vadd.s32 v43, v0  }
0xf1: {  	v51 =	vimm.s32 $0xDCFE98BA;
	v0 =	vadd.s32 v44, v0  }
0xf2: {  	v4 =	vand.u32 $0xF, v4;
	v52 =	vimm.s32 $0x54761032;
	v0 =	vadd.s32 v46, v0  }
0xf3: {  	v53 =	vunpack.c.l.s4.s8 v51;
	v54 =	vunpack.c.l.s4.s8 v52;
	v0 =	vadd.s32 v47, v0  }
0xf4: {  	v0 =	vadd.s32 v49, v0  }
0xf5: {  	v1 =	vunpack.c.0.s8.s32 v53;
	v55 =	vunpack.c.0.s8.s32 v54;
	v0 =	vadd.s32 v50, v0  }
0xf6: {  	s30 =	simm.s32 $0x800;
	[tilespmem:$0x800] =	vst v0  }
0xf7: {  	v1 =	vcombine.low v55, v1;
	v56 =	vld.idx.msk [tilespmem:v4+s30+$0x0], $0xffff;
	_ =	sdelay $0x1  }
0xf8: {  	v57 =	vimm.s32 $0xBA98FEDC;
	v58 =	vimm.s32 $0x32107654;
	v1 =	vand.u32 $0xF, v1  }
0xf9: {  	v2 =	vunpack.c.l.s4.s8 v57;
	v4 =	vunpack.c.l.s4.s8 v58;
	_ =	sdelay $0x1  }
0xfa: {  	v2 =	vunpack.c.0.s8.s32 v2;
	v59 =	vunpack.c.0.s8.s32 v4;
	v0 =	vadd.s32 v0, v56  }
0xfb: {  	[tilespmem:$0x800] =	vst v0  }
0xfc: {  	v2 =	vcombine.low v59, v2;
	v1 =	vld.idx.msk [tilespmem:v1+s30+$0x0], $0xffff;
	_ =	sdelay $0x1  }
0xfd: {  	v60 =	vimm.s32 $0xFEDCBA98;
	v2 =	vand.u32 $0xF, v2  }
0xfe: {  	v61 =	vimm.s32 $0x76543210;
	v3 =	vunpack.c.l.s4.s8 v60  }
0xff: {  	v4 =	vunpack.c.l.s4.s8 v61  }
0x100: {  	v62 =	vunpack.c.0.s8.s32 v3;
	v0 =	vadd.s32 v0, v1  }
0x101: {  	v63 =	vunpack.c.0.s8.s32 v4;
	[tilespmem:$0x800] =	vst v0  }
0x102: {  	v1 =	vand.u32 $0xF, v62;
	v2 =	vld.idx.msk [tilespmem:v2+s30+$0x0], $0xffff  }
0x103: {  	v1 =	vcombine.low v1, v63;
	_ =	sdelay $0x3  }
0x104: {  	v0 =	vadd.s32 v0, v2  }
0x105: {  	[tilespmem:$0x800] =	vst v0  }
0x106: {  	v1 =	vld.idx.msk [tilespmem:v1+s30+$0x0], $0xffff;
	_ =	sdelay $0x4  }
0x107: {  	v0 =	vadd.s32 v0, v1  }
0x108: {  	s31 =	simm.s32 $0x3;
	[tilespmem:$0x800] =	vst v0  }
0x109: {  	[spmem:s4] =	stream.linear.scatter [tilespmem:s30], [sflag:$0x3], $0x10, $0x38;
	[tilespmem:$0xC18] =	vst v63  }
0x10a: {  	_ =	swait.ge [sflag:s31], $0x10  }
0x10b: {  	p5 =	sne.s32 s1, $0xA;
	[sflag:s31] =	ssyncset.done $0x0  }
0x10c: {  	s4 =	simm.s32 @!p5 $0x2;
	[sflag:s31] =	ssyncadd.s32 $0xFFFFFFF0  }
0x10d: {  	_ =	swait.ge @!p5 [sflag:s4], $0x10  }
0x10e: {  	[sflag:s4] =	ssyncset.done @!p5 $0x0  }
0x10f: {  	[sflag:s4] =	ssyncadd.s32 @!p5 $0xFFFFFFF0;
	s4 =	simm.s32 @p2 $0x2  }
0x110: {  	_ =	swait.ge @p2 [sflag:s4], $0x10  }
0x111: {  	[sflag:s4] =	ssyncset.done @p2 $0x0  }
0x112: {  	[sflag:s4] =	ssyncadd.s32 @p2 $0xFFFFFFF0;
	s4 =	simm.s32 @p3 $0x2  }
0x113: {  	_ =	swait.ge @p3 [sflag:s4], $0x10  }
.Ltmp12:
0x114: {  	[sflag:s4] =	ssyncset.done @p3 $0x0;
	(pc) =	sbr.rel @!p4 .LBB2_15-.Ltmp12, $4  }
0x115: {  	[sflag:s4] =	ssyncadd.s32 @p3 $0xFFFFFFF0;
	s4 =	simm.s32 @p1 $0x2  }
0x116: {  	_ =	swait.ge @p1 [sflag:s4], $0x10  }
0x117: {  	[sflag:s4] =	ssyncset.done @p1 $0x0  }
0x118: {  	[sflag:s4] =	ssyncadd.s32 @p1 $0xFFFFFFF0  }
.Ltmp13:
0x119: {  	(pc) =	sbr.rel @p0 .LBB2_16-.Ltmp13, $4  }
0x11a: {  	s2 =	simm.s32 $0x2  }
0x11b: {  	_ =	swait.ge [sflag:s2], $0x10  }
0x11c: {  	[sflag:s2] =	ssyncset.done $0x0  }
0x11d: {  	[sflag:s2] =	ssyncadd.s32 $0xFFFFFFF0  }
.Ltmp14:
0x11e: {  	(pc) =	sbr.rel .LBB2_21-.Ltmp14, $2  }
0x11f: {  	_ =	sdelay $0x1  }
0x120: {  	[bflag:$0x0] =	sbarrier.arrive $0xFFFF;
	_ =	sdelay $0x1  }
.LBB2_15:
.Ltmp15:
0x121: {  	(pc) =	sbr.rel @!p0 .LBB2_19-.Ltmp15, $1  }
0x122: {  	_ =	sdelay $0x3  }
.LBB2_16:
0x123: {  	s2 =	simm.s32 $0x2  }
.Ltmp16:
0x124: {  	_ =	swait.ge [sflag:s2], $0x10;
	(pc) =	sbr.rel .LBB2_21-.Ltmp16, $3  }
0x125: {  	[sflag:s2] =	ssyncset.done $0x0  }
0x126: {  	[sflag:s2] =	ssyncadd.s32 $0xFFFFFFF0  }
0x127: {  	[bflag:$0x0] =	sbarrier.arrive $0xFFFF;
	_ =	sdelay $0x1  }
.LBB2_19:
0x128: {  	p0 =	sne.s32 s1, $0x0;
	[bflag:$0x0] =	sbarrier.arrive $0xFFFF  }
0x129: {  	_ =	sfence.sel @p0 $0x180000  }
0x12a: {  	[bflag:$0x0] =	sbarrier.arrive @p0 $0xFFFF  }
0x12b: {  	_ =	strace @p0 $0x90000047  }
0x12c: {  	[bflag:$0x2] =	sbarrier.arrive @p0 $0xFFFF  }
0x12d: {  	_ =	shalt @p0  }
.LBB2_20:
0x12e: {  	s4 =	simm.s32 $0x900;
	s30 =	simm.s32 $0x3  }
0x12f: {  	[tilespmem:s4], [sflag:$0x3] =	stream.linear.gather [spmem:s3], $0x180, $0x38;
	[tilespmem:$0xC18] =	vst v63  }
0x130: {  	_ =	swait.ge [sflag:s30], $0x180  }
0x131: {  	[sflag:s30] =	ssyncset.done $0x0  }
0x132: {  	[sflag:s30] =	ssyncadd.s32 $0xFFFFFE80  }
0x133: {  	v0 =	vld [tilespmem:$0x900]  }
0x134: {  	v1 =	vld [tilespmem:$0x910]  }
0x135: {  	v2 =	vld [tilespmem:$0x920]  }
0x136: {  	v3 =	vld [tilespmem:$0x930]  }
0x137: {  	v4 =	vld [tilespmem:$0x940]  }
0x138: {  	v5 =	vld [tilespmem:$0x950]  }
0x139: {  	v6 =	vld [tilespmem:$0x960]  }
0x13a: {  	v7 =	vld [tilespmem:$0x970]  }
0x13b: {  	v8 =	vld [tilespmem:$0x980]  }
0x13c: {  	v9 =	vld [tilespmem:$0x990];
	v0 =	vadd.s32 v0, v1  }
0x13d: {  	v49 =	vld [tilespmem:$0x9A0];
	v0 =	vadd.s32 v2, v0  }
0x13e: {  	v50 =	vld [tilespmem:$0x9B0];
	v0 =	vadd.s32 v3, v0  }
0x13f: {  	v51 =	vld [tilespmem:$0x9C0];
	v0 =	vadd.s32 v4, v0  }
0x140: {  	v52 =	vld [tilespmem:$0x9D0];
	v0 =	vadd.s32 v5, v0  }
0x141: {  	v53 =	vld [tilespmem:$0x9E0];
	v0 =	vadd.s32 v6, v0  }
0x142: {  	v54 =	vld [tilespmem:$0x9F0];
	v0 =	vadd.s32 v7, v0  }
0x143: {  	v55 =	vld [tilespmem:$0xA00];
	v0 =	vadd.s32 v8, v0  }
0x144: {  	v56 =	vld [tilespmem:$0xA10];
	v0 =	vadd.s32 v9, v0  }
0x145: {  	v57 =	vld [tilespmem:$0xA30];
	v0 =	vadd.s32 v49, v0  }
0x146: {  	v58 =	vld [tilespmem:$0xA40];
	v0 =	vadd.s32 v50, v0  }
0x147: {  	v59 =	vld [tilespmem:$0xA20];
	v0 =	vadd.s32 v51, v0  }
0x148: {  	v60 =	vld [tilespmem:$0xA50];
	v0 =	vadd.s32 v52, v0  }
0x149: {  	v0 =	vadd.s32 v53, v0  }
0x14a: {  	v61 =	vadd.f32 v56, v55;
	v0 =	vadd.s32 v54, v0  }
0x14b: {  	v1 =	vadd.f32 v58, v57;
	v0 =	vcvt.s32.f32 v0  }
0x14c: {  	v62 =	vadd.f32 v59, v61  }
0x14d: {  	v1 =	vadd.f32 v60, v1;
	v63 =	vsub.f32 $3.276800000e+04, v0;
	_ =	sdelay $0x1  }
0x14e: {  	v0 =	vmul.f32 v0, v1;
	v2 =	vmul.f32 v62, v63;
	_ =	sdelay $0x1  }
0x14f: {  	v0 =	vadd.f32 v0, v2;
	_ =	sdelay $0x1  }
0x150: {  	s31 =	simm.s32 $0x0;
	s5 =	simm.s32 $0xB80;
	[tilespmem:$0xB80] =	vst v0  }
0x151: {  	[hbm4b:s2+s31] =	stream.linear.scatter [tilespmem:s5], [sflag:$0x3], $0x80, $0x38;
	[tilespmem:$0xC18] =	vst v63  }
0x152: {  	_ =	swait.ge [sflag:s30], $0x80  }
0x153: {  	[sflag:s30] =	ssyncset.done $0x0  }
0x154: {  	[sflag:s30] =	ssyncadd.s32 $0xFFFFFF80  }
.LBB2_21:
0x155: {  	_ =	sfence.sel $0x180000  }
0x156: {  	[bflag:$0x0] =	sbarrier.arrive $0xFFFF  }
0x157: {  	p0 =	sne.s32 s1, $0x0;
	_ =	strace $0x90000047  }
0x158: {  	s0 =	sadd.s32 @!p0 $0x100000, s0;
	[bflag:$0x2] =	sbarrier.arrive $0xFFFF  }
0x159: {  	[sflag:s0] =	ssyncadd.tile.s32 @!p0 $0x1;
	_ =	shalt  }
.Lfunc_end2:
_tile_overlayer_lowered:
.L_overlay_start_2:
0x15a: {  	(tag) =	ssettag $0x2  }
0x15b: {  	s0 =	rddreg [dreg:$0x0];
	s2 =	stileid.u32  }
0x15c: {  	s1 =	rddreg [dreg:$0x1];
	p0 =	sne.s32 s2, $0x0  }
0x15d: {  	s3 =	rddreg [dreg:$0x2];
	[bflag:$0x3] =	sbarrier.arrive $0xFFFF;
	s2 =	simm.s32 @!p0 $0x1C03  }
0x15e: {  	[timem:s3], [sflag:s2] =	dma.local @!p0 [hbm:s0], s1  }
0x15f: {  	s0 =	simm.s32 @!p0 $0x3  }
0x160: {  	_ =	swait.ge @!p0 [sflag:s0], s1  }
0x161: {  	s1 =	ssub.s32 @!p0 $0x0, s1;
	[sflag:s0] =	ssyncset.done @!p0 $0x0  }
0x162: {  	[sflag:s0] =	ssyncadd.s32 @!p0 s1  }
0x163: {  	[bflag:$0x3] =	sbarrier.arrive $0xFFFF  }
0x164: {  	_ =	shalt  }

</sc_bundles>
